<compile_context>
chip_gen: v7x
topology: tpu7x:2x2x1
jax: 0.10.2.dev20260603
libtpu: 0.0.44.dev20260713+nightly
codegen_flags: <defaults>
</compile_context>

<pallas_src>
import functools

import jax
import jax.numpy as jnp
from jax import lax
from jax.experimental import pallas as pl
from jax.experimental.pallas import tpu as pltpu
from jax.experimental.pallas import tpu_sc as plsc

N = 10000
E = 320000
D = 128
NC = 2
NS = 16
NW = NC * NS
EPW = E // NW
C = 80
NCHUNK = EPW // C
NPAD = 10240
RPT = NPAD // NS


def _sc_hop(want_deg: bool, h_rows: int):
    mesh = plsc.VectorSubcoreMesh(core_axis_name="c", subcore_axis_name="s")

    out_type = [jax.ShapeDtypeStruct((NC, NPAD, D), jnp.float32)]
    scratch = [
        pltpu.VMEM_SHARED((NPAD, D), jnp.float32),
        pltpu.VMEM((C,), jnp.int32),
        pltpu.VMEM((C,), jnp.int32),
        pltpu.VMEM((C, D), jnp.float32),
        pltpu.SemaphoreType.DMA,
    ]
    if want_deg:
        out_type.append(jax.ShapeDtypeStruct((NC, NPAD), jnp.float32))
        scratch += [
            pltpu.VMEM_SHARED((NPAD,), jnp.float32),
            pltpu.VMEM((C,), jnp.float32),
            pltpu.VMEM((RPT,), jnp.float32),
        ]

    def body(h_hbm, src_hbm, dst_hbm, *rest):
        if want_deg:
            (s_out, deg_out, accum_sh, src_v, dst_v, rows_v, sem,
             deg_sh, ones_v, zdeg_v) = rest
        else:
            (s_out, accum_sh, src_v, dst_v, rows_v, sem) = rest
        c = lax.axis_index("c")
        s = lax.axis_index("s")
        wid = c * NS + s
        r0 = s * RPT

        z16 = jnp.zeros((16,), jnp.float32)

        def zrow(i, _):
            def zcol(j, _):
                rows_v[i, pl.ds(j * 16, 16)] = z16
                return 0
            return lax.fori_loop(0, D // 16, zcol, 0)
        lax.fori_loop(0, C, zrow, 0)
        for j in range(RPT // C):
            pltpu.sync_copy(rows_v, accum_sh.at[pl.ds(r0 + j * C, C)])

        if want_deg:
            o16 = jnp.ones((16,), jnp.float32)
            def fill1(i, _):
                ones_v[pl.ds(i * 16, 16)] = o16
                return 0
            lax.fori_loop(0, C // 16, fill1, 0)
            def fill0(i, _):
                zdeg_v[pl.ds(i * 16, 16)] = z16
                return 0
            lax.fori_loop(0, RPT // 16, fill0, 0)
            pltpu.sync_copy(zdeg_v, deg_sh.at[pl.ds(r0, RPT)])

        plsc.subcore_barrier()

        def edge(i, _):
            pltpu.sync_copy(src_hbm.at[wid, i], src_v)
            pltpu.sync_copy(dst_hbm.at[wid, i], dst_v)
            pltpu.async_copy(h_hbm.at[src_v], rows_v, sem).wait()
            pltpu.sync_copy(rows_v, accum_sh.at[dst_v], add=True)
            if want_deg:
                pltpu.sync_copy(ones_v, deg_sh.at[dst_v], add=True)
            return 0
        lax.fori_loop(0, NCHUNK, edge, 0)

        plsc.subcore_barrier()

        pltpu.sync_copy(accum_sh.at[pl.ds(r0, RPT)], s_out.at[c, pl.ds(r0, RPT)])
        if want_deg:
            pltpu.sync_copy(deg_sh.at[pl.ds(r0, RPT)], deg_out.at[c, pl.ds(r0, RPT)])

    return pl.kernel(body, out_type=tuple(out_type), mesh=mesh,
                     scratch_types=tuple(scratch))


def _merge_body(s_ref, d_ref, h_ref):
    deg = jnp.clip(d_ref[0] + d_ref[1], 1.0, None)
    h_ref[...] = (s_ref[0] + s_ref[1]) / deg


def _merge(s_part, deg_part):
    BM = 512
    grid = (NPAD // BM,)
    return pl.pallas_call(
        _merge_body,
        grid=grid,
        in_specs=[
            pl.BlockSpec((NC, BM, D), lambda i: (0, i, 0)),
            pl.BlockSpec((NC, BM, 1), lambda i: (0, i, 0)),
        ],
        out_specs=pl.BlockSpec((BM, D), lambda i: (i, 0)),
        out_shape=jax.ShapeDtypeStruct((NPAD, D), jnp.float32),
    )(s_part, deg_part)


def _prelu(x, a):
    return jnp.maximum(x, 0.0) + a * jnp.minimum(x, 0.0)


def _final_body(s_ref, d_ref, x_ref, emb_ref, wc_ref, bc_ref, ac_ref,
                wo_ref, bo_ref, ao_ref, o_ref):
    deg = jnp.clip(d_ref[0] + d_ref[1], 1.0, None)
    agg = (s_ref[0] + s_ref[1]) / deg
    x = x_ref[...]
    for l in range(2):
        h = (jnp.dot(x, wc_ref[l, :D, :], preferred_element_type=jnp.float32)
             + jnp.dot(agg, wc_ref[l, D:, :], preferred_element_type=jnp.float32)
             + bc_ref[l][None, :])
        agg = _prelu(h, ac_ref[l][None, :])
    res = jnp.dot(emb_ref[...], wo_ref[...], preferred_element_type=jnp.float32)
    res = _prelu(res + bo_ref[...], ao_ref[...])
    o_ref[...] = agg + res


def _final(s_part, deg_part, X, emb, W_c, b_c, a_c, W_o, b_o, a_o):
    BN = 400
    grid = (N // BN,)
    full = lambda *shape: pl.BlockSpec(shape, lambda i: (0,) * len(shape))
    return pl.pallas_call(
        _final_body,
        grid=grid,
        in_specs=[
            pl.BlockSpec((NC, BN, D), lambda i: (0, i, 0)),
            pl.BlockSpec((NC, BN, 1), lambda i: (0, i, 0)),
            pl.BlockSpec((BN, D), lambda i: (i, 0)),
            pl.BlockSpec((BN, D), lambda i: (i, 0)),
            full(2, 2 * D, D),
            full(2, D),
            full(2, D),
            full(D, D),
            full(1, D),
            full(1, D),
        ],
        out_specs=pl.BlockSpec((BN, D), lambda i: (i, 0)),
        out_shape=jax.ShapeDtypeStruct((N, D), jnp.float32),
    )(s_part, deg_part, X, emb, W_c, b_c, a_c, W_o, b_o, a_o)


def kernel(g, X, emb, k, W_o, b_o, a_o, W_c, b_c, a_c):
    src3 = g[0].astype(jnp.int32).reshape(NW, NCHUNK, C)
    dst3 = g[1].astype(jnp.int32).reshape(NW, NCHUNK, C)

    hop_deg = _sc_hop(True, N)
    hop_nodeg = _sc_hop(False, NPAD)

    s1, deg = hop_deg(X, src3, dst3)
    deg = deg.reshape(NC, NPAD, 1)
    h1 = _merge(s1, deg)
    (s2,) = hop_nodeg(h1, src3, dst3)

    ac_b = jnp.broadcast_to(a_c[:, None], (2, D))
    bo_b = jnp.reshape(b_o, (1, D))
    ao_b = jnp.full((1, D), a_o, dtype=jnp.float32)
    return _final(s2, deg, X, emb, W_c, b_c, ac_b, W_o, bo_b, ao_b)

# --- scband reference (transcript-rebuilt; emitter-appended) ---
"""Pipeline reference for scband-mgcn-77773267796603 (READ-ONLY COPY).

The authoritative reference and input builder live on the scoring server;
editing this copy changes nothing except your own understanding.
"""

import jax, jax.numpy as jnp
import numpy as np

N = 10000
E = 320000
D = 128
L = 2


def prelu(x, a):
    return jnp.maximum(x, 0.0) + a * jnp.minimum(x, 0.0)


def mean_agg(h, src, dst, n):
    s = jax.ops.segment_sum(h[src], dst, num_segments=n)
    deg = jax.ops.segment_sum(jnp.ones((src.shape[0],), dtype=h.dtype), dst, num_segments=n)
    return s / jnp.clip(deg, 1.0, None)[:, None]


def setup_inputs(seed: int = 0):
    key = jax.random.key(seed)
    ks = jax.random.split(key, 8)
    X = jax.random.normal(ks[0], (N, D), dtype=jnp.float32)
    emb = jax.random.normal(ks[1], (N, D), dtype=jnp.float32)
    g = jax.random.randint(ks[2], (2, E), 0, N)
    W_o = jax.random.normal(ks[3], (D, D), dtype=jnp.float32) * (1.0 / np.sqrt(D))
    b_o = jnp.zeros((D,), dtype=jnp.float32)
    a_o = jnp.array(0.25, dtype=jnp.float32)
    W_c = jax.random.normal(ks[4], (L, 2 * D, D), dtype=jnp.float32) * (1.0 / np.sqrt(2 * D))
    b_c = jnp.zeros((L, D), dtype=jnp.float32)
    a_c = jnp.full((L,), 0.25, dtype=jnp.float32)
    k = 2
    return {"g": g, "X": X, "emb": emb, "k": k, "W_o": W_o, "b_o": b_o, "a_o": a_o, "W_c": W_c, "b_c": b_c, "a_c": a_c}


def reference(g, X, emb, k, W_o, b_o, a_o, W_c, b_c, a_c):
    # AGG(emb_num, dropout, 'mean'): k-hop mean neighbor aggregation over the graph.
    # Dropout layers are identity in eval mode.
    src = g[0]
    dst = g[1]
    n = X.shape[0]
    agg_X = jax.lax.fori_loop(0, k, lambda _, h: mean_agg(h, src, dst, n), X)
    # Combine(emb_num, dropout): PReLU(Linear([X || agg_X])) per layer.
    for l in range(W_c.shape[0]):
        h = jnp.concatenate([X, agg_X], axis=1) @ W_c[l] + b_c[l]
        agg_X = prelu(h, a_c[l])
    # Residual branch: dropout(PReLU(W_o(emb))) -> identity dropout in eval.
    out = agg_X + prelu(emb @ W_o + b_o, a_o)
    return out

if __name__ == "__main__":
    import jax
    _d = setup_inputs()
    print(jax.jit(kernel)(*tuple(_d.values())))

</pallas_src>

<mosaic_0001>
#map = affine_map<(d0, d1) -> (0, 0)>
#map1 = affine_map<(d0, d1) -> (0, 0, 0)>
module attributes {stable_mosaic.version = 14 : i64} {
  func.func @body(%arg0: i32, %arg1: i32, %arg2: memref<10000x128xf32, #tpu.memory_space<hbm>>, %arg3: memref<32x125x80xi32, #tpu.memory_space<hbm>>, %arg4: memref<32x125x80xi32, #tpu.memory_space<hbm>>, %arg5: memref<2x10240x128xf32, #tpu.memory_space<hbm>>, %arg6: memref<2x10240xf32, #tpu.memory_space<hbm>>, %arg7: memref<10240x128xf32, #tpu.memory_space<vmem_shared>>, %arg8: memref<80xi32, #tpu.memory_space<vmem>>, %arg9: memref<80xi32, #tpu.memory_space<vmem>>, %arg10: memref<80x128xf32, #tpu.memory_space<vmem>>, %arg11: memref<!tpu.dma_semaphore, #tpu.memory_space<semaphore_mem>>, %arg12: memref<10240xf32, #tpu.memory_space<vmem_shared>>, %arg13: memref<80xf32, #tpu.memory_space<vmem>>, %arg14: memref<640xf32, #tpu.memory_space<vmem>>) attributes {dimension_semantics = [#tpu.dimension_semantics<core_parallel>, #tpu.dimension_semantics<subcore_parallel>], iteration_bounds = array<i64: 2, 16>, scalar_prefetch = 0 : i64, scratch_operands = 8 : i64, tpu.core_type = #tpu.core_type<sc_vector_subcore>, window_params = [{transform_indices = #map}, {transform_indices = #map1}, {transform_indices = #map1}, {transform_indices = #map1}, {transform_indices = #map}]} {
    %mul3A = arith.constant 16 : i32
    %mul3A_0 = arith.muli %arg0, %mul3A : i32
    %add3A = arith.addi %mul3A_0, %arg1 : i32
    %mul3A_1 = arith.constant 640 : i32
    %mul3A_2 = arith.muli %arg1, %mul3A_1 : i32
    %broadcast_in_dim3A = arith.constant 0.000000e+00 : f32
    %broadcast_in_dim3A_3 = vector.broadcast %broadcast_in_dim3A : f32 to vector<16xf32>
    %scan3A = arith.constant 0 : i32
    %scan3A_4 = arith.constant 0 : i32
    %scan3A_5 = arith.constant 80 : i32
    %scan3A_6 = arith.addi %scan3A_4, %scan3A_5 : i32
    %scan3A_7 = arith.constant 1 : i32
    %scan3A_8 = scf.for %scan3A_50 = %scan3A_4 to %scan3A_6 step %scan3A_7 iter_args(%scan3A_51 = %scan3A) -> (i32)  : i32 {
      %scan3A_52 = arith.constant 0 : i32
      %scan3A_53 = arith.constant 0 : i32
      %scan3A_54 = arith.constant 8 : i32
      %scan3A_55 = arith.addi %scan3A_53, %scan3A_54 : i32
      %scan3A_56 = arith.constant 1 : i32
      %scan3A_57 = scf.for %scan3A_59 = %scan3A_53 to %scan3A_55 step %scan3A_56 iter_args(%scan3A_60 = %scan3A_52) -> (i32)  : i32 {
        %mul3A_61 = arith.constant 16 : i32
        %mul3A_62 = arith.muli %scan3A_59, %mul3A_61 : i32
        %swap3A = arith.index_cast %scan3A_50 : i32 to index
        %swap3A_63 = arith.index_cast %mul3A_62 : i32 to index
        %swap3A_64 = tpu.vector_load %arg10[%swap3A, %swap3A_63] {strides = array<i32>} : memref<80x128xf32, #tpu.memory_space<vmem>>, vector<1x16xf32>,
        %swap3A_65 = vector.shape_cast %swap3A_64 : vector<1x16xf32> to vector<16xf32>
        %swap3A_66 = vector.shape_cast %broadcast_in_dim3A_3 : vector<16xf32> to vector<1x16xf32>
        tpu.vector_store %arg10[%swap3A, %swap3A_63], %swap3A_66 {strides = array<i32>} : memref<80x128xf32, #tpu.memory_space<vmem>>, vector<1x16xf32>,
        %scan3A_67 = arith.constant 0 : i32
        scf.yield %scan3A_67 : i32
      }
      %scan3A_58 = arith.constant 8 : i32
      scf.yield %scan3A_57 : i32
    }
    %scan3A_9 = arith.constant 80 : i32
    %add3A_10 = arith.constant 0 : i32
    %add3A_11 = arith.addi %mul3A_2, %add3A_10 : i32
    "tpu.region"() ({
      %run_scoped3A = tpu.sem_alloc : memref<!tpu.dma_semaphore, #tpu.memory_space<semaphore_mem>>
      %dma_start3A = arith.constant 0 : i32
      %dma_start3A_50 = tpu.memref_slice %arg7[%add3A_11, %dma_start3A] : memref<10240x128xf32, #tpu.memory_space<vmem_shared>> -> memref<80x128xf32, #tpu.memory_space<vmem_shared>>
      %dma_start3A_51 = arith.constant 0 : i32
      %dma_start3A_52 = tpu.memref_slice %arg7[%add3A_11, %dma_start3A_51] : memref<10240x128xf32, #tpu.memory_space<vmem_shared>> -> memref<80x128xf32, #tpu.memory_space<vmem_shared>>
      tpu.enqueue_dma source(%arg10 : memref<80x128xf32, #tpu.memory_space<vmem>>) target(%dma_start3A_52 : memref<80x128xf32, #tpu.memory_space<vmem_shared>>) target_semaphore(%run_scoped3A : memref<!tpu.dma_semaphore, #tpu.memory_space<semaphore_mem>>)
      %dma_wait3A = arith.constant 0 : i32
      %dma_wait3A_53 = tpu.memref_slice %arg7[%add3A_11, %dma_wait3A] : memref<10240x128xf32, #tpu.memory_space<vmem_shared>> -> memref<80x128xf32, #tpu.memory_space<vmem_shared>>
      %dma_wait3A_54 = arith.constant 0 : i32
      %dma_wait3A_55 = tpu.memref_slice %arg7[%add3A_11, %dma_wait3A_54] : memref<10240x128xf32, #tpu.memory_space<vmem_shared>> -> memref<80x128xf32, #tpu.memory_space<vmem_shared>>
      tpu.wait_dma2 semaphore(%run_scoped3A : memref<!tpu.dma_semaphore, #tpu.memory_space<semaphore_mem>>) src(%arg10 : memref<80x128xf32, #tpu.memory_space<vmem>>) dst(%dma_wait3A_55 : memref<80x128xf32, #tpu.memory_space<vmem_shared>>)
      tpu.yield
    }) : () -> ()
    %add3A_12 = arith.constant 80 : i32
    %add3A_13 = arith.addi %mul3A_2, %add3A_12 : i32
    "tpu.region"() ({
      %run_scoped3A = tpu.sem_alloc : memref<!tpu.dma_semaphore, #tpu.memory_space<semaphore_mem>>
      %dma_start3A = arith.constant 0 : i32
      %dma_start3A_50 = tpu.memref_slice %arg7[%add3A_13, %dma_start3A] : memref<10240x128xf32, #tpu.memory_space<vmem_shared>> -> memref<80x128xf32, #tpu.memory_space<vmem_shared>>
      %dma_start3A_51 = arith.constant 0 : i32
      %dma_start3A_52 = tpu.memref_slice %arg7[%add3A_13, %dma_start3A_51] : memref<10240x128xf32, #tpu.memory_space<vmem_shared>> -> memref<80x128xf32, #tpu.memory_space<vmem_shared>>
      tpu.enqueue_dma source(%arg10 : memref<80x128xf32, #tpu.memory_space<vmem>>) target(%dma_start3A_52 : memref<80x128xf32, #tpu.memory_space<vmem_shared>>) target_semaphore(%run_scoped3A : memref<!tpu.dma_semaphore, #tpu.memory_space<semaphore_mem>>)
      %dma_wait3A = arith.constant 0 : i32
      %dma_wait3A_53 = tpu.memref_slice %arg7[%add3A_13, %dma_wait3A] : memref<10240x128xf32, #tpu.memory_space<vmem_shared>> -> memref<80x128xf32, #tpu.memory_space<vmem_shared>>
      %dma_wait3A_54 = arith.constant 0 : i32
      %dma_wait3A_55 = tpu.memref_slice %arg7[%add3A_13, %dma_wait3A_54] : memref<10240x128xf32, #tpu.memory_space<vmem_shared>> -> memref<80x128xf32, #tpu.memory_space<vmem_shared>>
      tpu.wait_dma2 semaphore(%run_scoped3A : memref<!tpu.dma_semaphore, #tpu.memory_space<semaphore_mem>>) src(%arg10 : memref<80x128xf32, #tpu.memory_space<vmem>>) dst(%dma_wait3A_55 : memref<80x128xf32, #tpu.memory_space<vmem_shared>>)
      tpu.yield
    }) : () -> ()
    %add3A_14 = arith.constant 160 : i32
    %add3A_15 = arith.addi %mul3A_2, %add3A_14 : i32
    "tpu.region"() ({
      %run_scoped3A = tpu.sem_alloc : memref<!tpu.dma_semaphore, #tpu.memory_space<semaphore_mem>>
      %dma_start3A = arith.constant 0 : i32
      %dma_start3A_50 = tpu.memref_slice %arg7[%add3A_15, %dma_start3A] : memref<10240x128xf32, #tpu.memory_space<vmem_shared>> -> memref<80x128xf32, #tpu.memory_space<vmem_shared>>
      %dma_start3A_51 = arith.constant 0 : i32
      %dma_start3A_52 = tpu.memref_slice %arg7[%add3A_15, %dma_start3A_51] : memref<10240x128xf32, #tpu.memory_space<vmem_shared>> -> memref<80x128xf32, #tpu.memory_space<vmem_shared>>
      tpu.enqueue_dma source(%arg10 : memref<80x128xf32, #tpu.memory_space<vmem>>) target(%dma_start3A_52 : memref<80x128xf32, #tpu.memory_space<vmem_shared>>) target_semaphore(%run_scoped3A : memref<!tpu.dma_semaphore, #tpu.memory_space<semaphore_mem>>)
      %dma_wait3A = arith.constant 0 : i32
      %dma_wait3A_53 = tpu.memref_slice %arg7[%add3A_15, %dma_wait3A] : memref<10240x128xf32, #tpu.memory_space<vmem_shared>> -> memref<80x128xf32, #tpu.memory_space<vmem_shared>>
      %dma_wait3A_54 = arith.constant 0 : i32
      %dma_wait3A_55 = tpu.memref_slice %arg7[%add3A_15, %dma_wait3A_54] : memref<10240x128xf32, #tpu.memory_space<vmem_shared>> -> memref<80x128xf32, #tpu.memory_space<vmem_shared>>
      tpu.wait_dma2 semaphore(%run_scoped3A : memref<!tpu.dma_semaphore, #tpu.memory_space<semaphore_mem>>) src(%arg10 : memref<80x128xf32, #tpu.memory_space<vmem>>) dst(%dma_wait3A_55 : memref<80x128xf32, #tpu.memory_space<vmem_shared>>)
      tpu.yield
    }) : () -> ()
    %add3A_16 = arith.constant 240 : i32
    %add3A_17 = arith.addi %mul3A_2, %add3A_16 : i32
    "tpu.region"() ({
      %run_scoped3A = tpu.sem_alloc : memref<!tpu.dma_semaphore, #tpu.memory_space<semaphore_mem>>
      %dma_start3A = arith.constant 0 : i32
      %dma_start3A_50 = tpu.memref_slice %arg7[%add3A_17, %dma_start3A] : memref<10240x128xf32, #tpu.memory_space<vmem_shared>> -> memref<80x128xf32, #tpu.memory_space<vmem_shared>>
      %dma_start3A_51 = arith.constant 0 : i32
      %dma_start3A_52 = tpu.memref_slice %arg7[%add3A_17, %dma_start3A_51] : memref<10240x128xf32, #tpu.memory_space<vmem_shared>> -> memref<80x128xf32, #tpu.memory_space<vmem_shared>>
      tpu.enqueue_dma source(%arg10 : memref<80x128xf32, #tpu.memory_space<vmem>>) target(%dma_start3A_52 : memref<80x128xf32, #tpu.memory_space<vmem_shared>>) target_semaphore(%run_scoped3A : memref<!tpu.dma_semaphore, #tpu.memory_space<semaphore_mem>>)
      %dma_wait3A = arith.constant 0 : i32
      %dma_wait3A_53 = tpu.memref_slice %arg7[%add3A_17, %dma_wait3A] : memref<10240x128xf32, #tpu.memory_space<vmem_shared>> -> memref<80x128xf32, #tpu.memory_space<vmem_shared>>
      %dma_wait3A_54 = arith.constant 0 : i32
      %dma_wait3A_55 = tpu.memref_slice %arg7[%add3A_17, %dma_wait3A_54] : memref<10240x128xf32, #tpu.memory_space<vmem_shared>> -> memref<80x128xf32, #tpu.memory_space<vmem_shared>>
      tpu.wait_dma2 semaphore(%run_scoped3A : memref<!tpu.dma_semaphore, #tpu.memory_space<semaphore_mem>>) src(%arg10 : memref<80x128xf32, #tpu.memory_space<vmem>>) dst(%dma_wait3A_55 : memref<80x128xf32, #tpu.memory_space<vmem_shared>>)
      tpu.yield
    }) : () -> ()
    %add3A_18 = arith.constant 320 : i32
    %add3A_19 = arith.addi %mul3A_2, %add3A_18 : i32
    "tpu.region"() ({
      %run_scoped3A = tpu.sem_alloc : memref<!tpu.dma_semaphore, #tpu.memory_space<semaphore_mem>>
      %dma_start3A = arith.constant 0 : i32
      %dma_start3A_50 = tpu.memref_slice %arg7[%add3A_19, %dma_start3A] : memref<10240x128xf32, #tpu.memory_space<vmem_shared>> -> memref<80x128xf32, #tpu.memory_space<vmem_shared>>
      %dma_start3A_51 = arith.constant 0 : i32
      %dma_start3A_52 = tpu.memref_slice %arg7[%add3A_19, %dma_start3A_51] : memref<10240x128xf32, #tpu.memory_space<vmem_shared>> -> memref<80x128xf32, #tpu.memory_space<vmem_shared>>
      tpu.enqueue_dma source(%arg10 : memref<80x128xf32, #tpu.memory_space<vmem>>) target(%dma_start3A_52 : memref<80x128xf32, #tpu.memory_space<vmem_shared>>) target_semaphore(%run_scoped3A : memref<!tpu.dma_semaphore, #tpu.memory_space<semaphore_mem>>)
      %dma_wait3A = arith.constant 0 : i32
      %dma_wait3A_53 = tpu.memref_slice %arg7[%add3A_19, %dma_wait3A] : memref<10240x128xf32, #tpu.memory_space<vmem_shared>> -> memref<80x128xf32, #tpu.memory_space<vmem_shared>>
      %dma_wait3A_54 = arith.constant 0 : i32
      %dma_wait3A_55 = tpu.memref_slice %arg7[%add3A_19, %dma_wait3A_54] : memref<10240x128xf32, #tpu.memory_space<vmem_shared>> -> memref<80x128xf32, #tpu.memory_space<vmem_shared>>
      tpu.wait_dma2 semaphore(%run_scoped3A : memref<!tpu.dma_semaphore, #tpu.memory_space<semaphore_mem>>) src(%arg10 : memref<80x128xf32, #tpu.memory_space<vmem>>) dst(%dma_wait3A_55 : memref<80x128xf32, #tpu.memory_space<vmem_shared>>)
      tpu.yield
    }) : () -> ()
    %add3A_20 = arith.constant 400 : i32
    %add3A_21 = arith.addi %mul3A_2, %add3A_20 : i32
    "tpu.region"() ({
      %run_scoped3A = tpu.sem_alloc : memref<!tpu.dma_semaphore, #tpu.memory_space<semaphore_mem>>
      %dma_start3A = arith.constant 0 : i32
      %dma_start3A_50 = tpu.memref_slice %arg7[%add3A_21, %dma_start3A] : memref<10240x128xf32, #tpu.memory_space<vmem_shared>> -> memref<80x128xf32, #tpu.memory_space<vmem_shared>>
      %dma_start3A_51 = arith.constant 0 : i32
      %dma_start3A_52 = tpu.memref_slice %arg7[%add3A_21, %dma_start3A_51] : memref<10240x128xf32, #tpu.memory_space<vmem_shared>> -> memref<80x128xf32, #tpu.memory_space<vmem_shared>>
      tpu.enqueue_dma source(%arg10 : memref<80x128xf32, #tpu.memory_space<vmem>>) target(%dma_start3A_52 : memref<80x128xf32, #tpu.memory_space<vmem_shared>>) target_semaphore(%run_scoped3A : memref<!tpu.dma_semaphore, #tpu.memory_space<semaphore_mem>>)
      %dma_wait3A = arith.constant 0 : i32
      %dma_wait3A_53 = tpu.memref_slice %arg7[%add3A_21, %dma_wait3A] : memref<10240x128xf32, #tpu.memory_space<vmem_shared>> -> memref<80x128xf32, #tpu.memory_space<vmem_shared>>
      %dma_wait3A_54 = arith.constant 0 : i32
      %dma_wait3A_55 = tpu.memref_slice %arg7[%add3A_21, %dma_wait3A_54] : memref<10240x128xf32, #tpu.memory_space<vmem_shared>> -> memref<80x128xf32, #tpu.memory_space<vmem_shared>>
      tpu.wait_dma2 semaphore(%run_scoped3A : memref<!tpu.dma_semaphore, #tpu.memory_space<semaphore_mem>>) src(%arg10 : memref<80x128xf32, #tpu.memory_space<vmem>>) dst(%dma_wait3A_55 : memref<80x128xf32, #tpu.memory_space<vmem_shared>>)
      tpu.yield
    }) : () -> ()
    %add3A_22 = arith.constant 480 : i32
    %add3A_23 = arith.addi %mul3A_2, %add3A_22 : i32
    "tpu.region"() ({
      %run_scoped3A = tpu.sem_alloc : memref<!tpu.dma_semaphore, #tpu.memory_space<semaphore_mem>>
      %dma_start3A = arith.constant 0 : i32
      %dma_start3A_50 = tpu.memref_slice %arg7[%add3A_23, %dma_start3A] : memref<10240x128xf32, #tpu.memory_space<vmem_shared>> -> memref<80x128xf32, #tpu.memory_space<vmem_shared>>
      %dma_start3A_51 = arith.constant 0 : i32
      %dma_start3A_52 = tpu.memref_slice %arg7[%add3A_23, %dma_start3A_51] : memref<10240x128xf32, #tpu.memory_space<vmem_shared>> -> memref<80x128xf32, #tpu.memory_space<vmem_shared>>
      tpu.enqueue_dma source(%arg10 : memref<80x128xf32, #tpu.memory_space<vmem>>) target(%dma_start3A_52 : memref<80x128xf32, #tpu.memory_space<vmem_shared>>) target_semaphore(%run_scoped3A : memref<!tpu.dma_semaphore, #tpu.memory_space<semaphore_mem>>)
      %dma_wait3A = arith.constant 0 : i32
      %dma_wait3A_53 = tpu.memref_slice %arg7[%add3A_23, %dma_wait3A] : memref<10240x128xf32, #tpu.memory_space<vmem_shared>> -> memref<80x128xf32, #tpu.memory_space<vmem_shared>>
      %dma_wait3A_54 = arith.constant 0 : i32
      %dma_wait3A_55 = tpu.memref_slice %arg7[%add3A_23, %dma_wait3A_54] : memref<10240x128xf32, #tpu.memory_space<vmem_shared>> -> memref<80x128xf32, #tpu.memory_space<vmem_shared>>
      tpu.wait_dma2 semaphore(%run_scoped3A : memref<!tpu.dma_semaphore, #tpu.memory_space<semaphore_mem>>) src(%arg10 : memref<80x128xf32, #tpu.memory_space<vmem>>) dst(%dma_wait3A_55 : memref<80x128xf32, #tpu.memory_space<vmem_shared>>)
      tpu.yield
    }) : () -> ()
    %add3A_24 = arith.constant 560 : i32
    %add3A_25 = arith.addi %mul3A_2, %add3A_24 : i32
    "tpu.region"() ({
      %run_scoped3A = tpu.sem_alloc : memref<!tpu.dma_semaphore, #tpu.memory_space<semaphore_mem>>
      %dma_start3A = arith.constant 0 : i32
      %dma_start3A_50 = tpu.memref_slice %arg7[%add3A_25, %dma_start3A] : memref<10240x128xf32, #tpu.memory_space<vmem_shared>> -> memref<80x128xf32, #tpu.memory_space<vmem_shared>>
      %dma_start3A_51 = arith.constant 0 : i32
      %dma_start3A_52 = tpu.memref_slice %arg7[%add3A_25, %dma_start3A_51] : memref<10240x128xf32, #tpu.memory_space<vmem_shared>> -> memref<80x128xf32, #tpu.memory_space<vmem_shared>>
      tpu.enqueue_dma source(%arg10 : memref<80x128xf32, #tpu.memory_space<vmem>>) target(%dma_start3A_52 : memref<80x128xf32, #tpu.memory_space<vmem_shared>>) target_semaphore(%run_scoped3A : memref<!tpu.dma_semaphore, #tpu.memory_space<semaphore_mem>>)
      %dma_wait3A = arith.constant 0 : i32
      %dma_wait3A_53 = tpu.memref_slice %arg7[%add3A_25, %dma_wait3A] : memref<10240x128xf32, #tpu.memory_space<vmem_shared>> -> memref<80x128xf32, #tpu.memory_space<vmem_shared>>
      %dma_wait3A_54 = arith.constant 0 : i32
      %dma_wait3A_55 = tpu.memref_slice %arg7[%add3A_25, %dma_wait3A_54] : memref<10240x128xf32, #tpu.memory_space<vmem_shared>> -> memref<80x128xf32, #tpu.memory_space<vmem_shared>>
      tpu.wait_dma2 semaphore(%run_scoped3A : memref<!tpu.dma_semaphore, #tpu.memory_space<semaphore_mem>>) src(%arg10 : memref<80x128xf32, #tpu.memory_space<vmem>>) dst(%dma_wait3A_55 : memref<80x128xf32, #tpu.memory_space<vmem_shared>>)
      tpu.yield
    }) : () -> ()
    %broadcast_in_dim3A_26 = arith.constant 1.000000e+00 : f32
    %broadcast_in_dim3A_27 = vector.broadcast %broadcast_in_dim3A_26 : f32 to vector<16xf32>
    %scan3A_28 = arith.constant 0 : i32
    %scan3A_29 = arith.constant 0 : i32
    %scan3A_30 = arith.constant 5 : i32
    %scan3A_31 = arith.addi %scan3A_29, %scan3A_30 : i32
    %scan3A_32 = arith.constant 1 : i32
    %scan3A_33 = scf.for %scan3A_50 = %scan3A_29 to %scan3A_31 step %scan3A_32 iter_args(%scan3A_51 = %scan3A_28) -> (i32)  : i32 {
      %mul3A_52 = arith.constant 16 : i32
      %mul3A_53 = arith.muli %scan3A_50, %mul3A_52 : i32
      %swap3A = arith.index_cast %mul3A_53 : i32 to index
      %swap3A_54 = tpu.vector_load %arg13[%swap3A] {strides = array<i32>} : memref<80xf32, #tpu.memory_space<vmem>>, vector<16xf32>,
      %swap3A_55 = vector.shape_cast %swap3A_54 : vector<16xf32> to vector<16xf32>
      %swap3A_56 = vector.shape_cast %broadcast_in_dim3A_27 : vector<16xf32> to vector<16xf32>
      tpu.vector_store %arg13[%swap3A], %swap3A_56 {strides = array<i32>} : memref<80xf32, #tpu.memory_space<vmem>>, vector<16xf32>,
      %scan3A_57 = arith.constant 0 : i32
      scf.yield %scan3A_57 : i32
    }
    %scan3A_34 = arith.constant 5 : i32
    %scan3A_35 = arith.constant 0 : i32
    %scan3A_36 = arith.constant 0 : i32
    %scan3A_37 = arith.constant 40 : i32
    %scan3A_38 = arith.addi %scan3A_36, %scan3A_37 : i32
    %scan3A_39 = arith.constant 1 : i32
    %scan3A_40 = scf.for %scan3A_50 = %scan3A_36 to %scan3A_38 step %scan3A_39 iter_args(%scan3A_51 = %scan3A_35) -> (i32)  : i32 {
      %mul3A_52 = arith.constant 16 : i32
      %mul3A_53 = arith.muli %scan3A_50, %mul3A_52 : i32
      %swap3A = arith.index_cast %mul3A_53 : i32 to index
      %swap3A_54 = tpu.vector_load %arg14[%swap3A] {strides = array<i32>} : memref<640xf32, #tpu.memory_space<vmem>>, vector<16xf32>,
      %swap3A_55 = vector.shape_cast %swap3A_54 : vector<16xf32> to vector<16xf32>
      %swap3A_56 = vector.shape_cast %broadcast_in_dim3A_3 : vector<16xf32> to vector<16xf32>
      tpu.vector_store %arg14[%swap3A], %swap3A_56 {strides = array<i32>} : memref<640xf32, #tpu.memory_space<vmem>>, vector<16xf32>,
      %scan3A_57 = arith.constant 0 : i32
      scf.yield %scan3A_57 : i32
    }
    %scan3A_41 = arith.constant 40 : i32
    "tpu.region"() ({
      %run_scoped3A = tpu.sem_alloc : memref<!tpu.dma_semaphore, #tpu.memory_space<semaphore_mem>>
      %dma_start3A = tpu.memref_slice %arg12[%mul3A_2] : memref<10240xf32, #tpu.memory_space<vmem_shared>> -> memref<640xf32, #tpu.memory_space<vmem_shared>>
      %dma_start3A_50 = tpu.memref_slice %arg12[%mul3A_2] : memref<10240xf32, #tpu.memory_space<vmem_shared>> -> memref<640xf32, #tpu.memory_space<vmem_shared>>
      tpu.enqueue_dma source(%arg14 : memref<640xf32, #tpu.memory_space<vmem>>) target(%dma_start3A_50 : memref<640xf32, #tpu.memory_space<vmem_shared>>) target_semaphore(%run_scoped3A : memref<!tpu.dma_semaphore, #tpu.memory_space<semaphore_mem>>)
      %dma_wait3A = tpu.memref_slice %arg12[%mul3A_2] : memref<10240xf32, #tpu.memory_space<vmem_shared>> -> memref<640xf32, #tpu.memory_space<vmem_shared>>
      %dma_wait3A_51 = tpu.memref_slice %arg12[%mul3A_2] : memref<10240xf32, #tpu.memory_space<vmem_shared>> -> memref<640xf32, #tpu.memory_space<vmem_shared>>
      tpu.wait_dma2 semaphore(%run_scoped3A : memref<!tpu.dma_semaphore, #tpu.memory_space<semaphore_mem>>) src(%arg14 : memref<640xf32, #tpu.memory_space<vmem>>) dst(%dma_wait3A_51 : memref<640xf32, #tpu.memory_space<vmem_shared>>)
      tpu.yield
    }) : () -> ()
    %barrier3A = arith.constant 0 : index
    tpu.barrier barrier_id(%barrier3A)
    %scan3A_42 = arith.constant 0 : i32
    %scan3A_43 = arith.constant 0 : i32
    %scan3A_44 = arith.constant 125 : i32
    %scan3A_45 = arith.addi %scan3A_43, %scan3A_44 : i32
    %scan3A_46 = arith.constant 1 : i32
    %scan3A_47 = scf.for %scan3A_50 = %scan3A_43 to %scan3A_45 step %scan3A_46 iter_args(%scan3A_51 = %scan3A_42) -> (i32)  : i32 {
      "tpu.region"() ({
        %run_scoped3A = tpu.sem_alloc : memref<!tpu.dma_semaphore, #tpu.memory_space<semaphore_mem>>
        %dma_start3A_57 = arith.constant 0 : i32
        %dma_start3A_58 = tpu.memref_slice %arg3[%add3A, %scan3A_50, %dma_start3A_57] : memref<32x125x80xi32, #tpu.memory_space<hbm>> -> memref<1x1x80xi32, #tpu.memory_space<hbm>>
        %dma_start3A_59 = tpu.memref_squeeze %dma_start3A_58 : memref<1x1x80xi32, #tpu.memory_space<hbm>> -> memref<80xi32, #tpu.memory_space<hbm>>
        %dma_start3A_60 = arith.constant 0 : i32
        %dma_start3A_61 = tpu.memref_slice %arg3[%add3A, %scan3A_50, %dma_start3A_60] : memref<32x125x80xi32, #tpu.memory_space<hbm>> -> memref<1x1x80xi32, #tpu.memory_space<hbm>>
        %dma_start3A_62 = tpu.memref_squeeze %dma_start3A_61 : memref<1x1x80xi32, #tpu.memory_space<hbm>> -> memref<80xi32, #tpu.memory_space<hbm>>
        tpu.enqueue_dma source(%dma_start3A_62 : memref<80xi32, #tpu.memory_space<hbm>>) target(%arg8 : memref<80xi32, #tpu.memory_space<vmem>>) target_semaphore(%run_scoped3A : memref<!tpu.dma_semaphore, #tpu.memory_space<semaphore_mem>>)
        %dma_wait3A_63 = arith.constant 0 : i32
        %dma_wait3A_64 = tpu.memref_slice %arg3[%add3A, %scan3A_50, %dma_wait3A_63] : memref<32x125x80xi32, #tpu.memory_space<hbm>> -> memref<1x1x80xi32, #tpu.memory_space<hbm>>
        %dma_wait3A_65 = tpu.memref_squeeze %dma_wait3A_64 : memref<1x1x80xi32, #tpu.memory_space<hbm>> -> memref<80xi32, #tpu.memory_space<hbm>>
        %dma_wait3A_66 = arith.constant 0 : i32
        %dma_wait3A_67 = tpu.memref_slice %arg3[%add3A, %scan3A_50, %dma_wait3A_66] : memref<32x125x80xi32, #tpu.memory_space<hbm>> -> memref<1x1x80xi32, #tpu.memory_space<hbm>>
        %dma_wait3A_68 = tpu.memref_squeeze %dma_wait3A_67 : memref<1x1x80xi32, #tpu.memory_space<hbm>> -> memref<80xi32, #tpu.memory_space<hbm>>
        tpu.wait_dma2 semaphore(%run_scoped3A : memref<!tpu.dma_semaphore, #tpu.memory_space<semaphore_mem>>) src(%dma_wait3A_68 : memref<80xi32, #tpu.memory_space<hbm>>) dst(%arg8 : memref<80xi32, #tpu.memory_space<vmem>>)
        tpu.yield
      }) : () -> ()
      "tpu.region"() ({
        %run_scoped3A = tpu.sem_alloc : memref<!tpu.dma_semaphore, #tpu.memory_space<semaphore_mem>>
        %dma_start3A_57 = arith.constant 0 : i32
        %dma_start3A_58 = tpu.memref_slice %arg4[%add3A, %scan3A_50, %dma_start3A_57] : memref<32x125x80xi32, #tpu.memory_space<hbm>> -> memref<1x1x80xi32, #tpu.memory_space<hbm>>
        %dma_start3A_59 = tpu.memref_squeeze %dma_start3A_58 : memref<1x1x80xi32, #tpu.memory_space<hbm>> -> memref<80xi32, #tpu.memory_space<hbm>>
        %dma_start3A_60 = arith.constant 0 : i32
        %dma_start3A_61 = tpu.memref_slice %arg4[%add3A, %scan3A_50, %dma_start3A_60] : memref<32x125x80xi32, #tpu.memory_space<hbm>> -> memref<1x1x80xi32, #tpu.memory_space<hbm>>
        %dma_start3A_62 = tpu.memref_squeeze %dma_start3A_61 : memref<1x1x80xi32, #tpu.memory_space<hbm>> -> memref<80xi32, #tpu.memory_space<hbm>>
        tpu.enqueue_dma source(%dma_start3A_62 : memref<80xi32, #tpu.memory_space<hbm>>) target(%arg9 : memref<80xi32, #tpu.memory_space<vmem>>) target_semaphore(%run_scoped3A : memref<!tpu.dma_semaphore, #tpu.memory_space<semaphore_mem>>)
        %dma_wait3A_63 = arith.constant 0 : i32
        %dma_wait3A_64 = tpu.memref_slice %arg4[%add3A, %scan3A_50, %dma_wait3A_63] : memref<32x125x80xi32, #tpu.memory_space<hbm>> -> memref<1x1x80xi32, #tpu.memory_space<hbm>>
        %dma_wait3A_65 = tpu.memref_squeeze %dma_wait3A_64 : memref<1x1x80xi32, #tpu.memory_space<hbm>> -> memref<80xi32, #tpu.memory_space<hbm>>
        %dma_wait3A_66 = arith.constant 0 : i32
        %dma_wait3A_67 = tpu.memref_slice %arg4[%add3A, %scan3A_50, %dma_wait3A_66] : memref<32x125x80xi32, #tpu.memory_space<hbm>> -> memref<1x1x80xi32, #tpu.memory_space<hbm>>
        %dma_wait3A_68 = tpu.memref_squeeze %dma_wait3A_67 : memref<1x1x80xi32, #tpu.memory_space<hbm>> -> memref<80xi32, #tpu.memory_space<hbm>>
        tpu.wait_dma2 semaphore(%run_scoped3A : memref<!tpu.dma_semaphore, #tpu.memory_space<semaphore_mem>>) src(%dma_wait3A_68 : memref<80xi32, #tpu.memory_space<hbm>>) dst(%arg9 : memref<80xi32, #tpu.memory_space<vmem>>)
        tpu.yield
      }) : () -> ()
      %dma_start3A = arith.constant 0 : i32
      %dma_start3A_52 = arith.constant 0 : i32
      %dma_start3A_53 = tpu.memref_slice %arg2[%dma_start3A, %dma_start3A_52] : memref<10000x128xf32, #tpu.memory_space<hbm>> -> memref<10000x128xf32, #tpu.memory_space<hbm>>
      tpu.enqueue_indirect_dma source(%dma_start3A_53 : memref<10000x128xf32, #tpu.memory_space<hbm>>) target(%arg10 : memref<80x128xf32, #tpu.memory_space<vmem>>) offsets(%arg8 : memref<80xi32, #tpu.memory_space<vmem>>) semaphore(%arg11 : memref<!tpu.dma_semaphore, #tpu.memory_space<semaphore_mem>>)
      %dma_wait3A = arith.constant 0 : i32
      %dma_wait3A_54 = arith.constant 0 : i32
      %dma_wait3A_55 = tpu.memref_slice %arg2[%dma_wait3A, %dma_wait3A_54] : memref<10000x128xf32, #tpu.memory_space<hbm>> -> memref<10000x128xf32, #tpu.memory_space<hbm>>
      tpu.wait_indirect_dma semaphore(%arg11 : memref<!tpu.dma_semaphore, #tpu.memory_space<semaphore_mem>>) src(%dma_wait3A_55 : memref<10000x128xf32, #tpu.memory_space<hbm>>) dst(%arg10 : memref<80x128xf32, #tpu.memory_space<vmem>>)
      "tpu.region"() ({
        %run_scoped3A = tpu.sem_alloc : memref<!tpu.dma_semaphore, #tpu.memory_space<semaphore_mem>>
        %dma_start3A_57 = arith.constant 0 : i32
        %dma_start3A_58 = arith.constant 0 : i32
        %dma_start3A_59 = tpu.memref_slice %arg7[%dma_start3A_57, %dma_start3A_58] : memref<10240x128xf32, #tpu.memory_space<vmem_shared>> -> memref<10240x128xf32, #tpu.memory_space<vmem_shared>>
        tpu.enqueue_indirect_dma source(%arg10 : memref<80x128xf32, #tpu.memory_space<vmem>>) target(%dma_start3A_59 : memref<10240x128xf32, #tpu.memory_space<vmem_shared>>) offsets(%arg9 : memref<80xi32, #tpu.memory_space<vmem>>) semaphore(%run_scoped3A : memref<!tpu.dma_semaphore, #tpu.memory_space<semaphore_mem>>) {add = true}
        %dma_wait3A_60 = arith.constant 0 : i32
        %dma_wait3A_61 = arith.constant 0 : i32
        %dma_wait3A_62 = tpu.memref_slice %arg7[%dma_wait3A_60, %dma_wait3A_61] : memref<10240x128xf32, #tpu.memory_space<vmem_shared>> -> memref<10240x128xf32, #tpu.memory_space<vmem_shared>>
        tpu.wait_indirect_dma semaphore(%run_scoped3A : memref<!tpu.dma_semaphore, #tpu.memory_space<semaphore_mem>>) src(%arg10 : memref<80x128xf32, #tpu.memory_space<vmem>>) dst(%dma_wait3A_62 : memref<10240x128xf32, #tpu.memory_space<vmem_shared>>)
        tpu.yield
      }) : () -> ()
      "tpu.region"() ({
        %run_scoped3A = tpu.sem_alloc : memref<!tpu.dma_semaphore, #tpu.memory_space<semaphore_mem>>
        %dma_start3A_57 = arith.constant 0 : i32
        %dma_start3A_58 = tpu.memref_slice %arg12[%dma_start3A_57] : memref<10240xf32, #tpu.memory_space<vmem_shared>> -> memref<10240xf32, #tpu.memory_space<vmem_shared>>
        tpu.enqueue_indirect_dma source(%arg13 : memref<80xf32, #tpu.memory_space<vmem>>) target(%dma_start3A_58 : memref<10240xf32, #tpu.memory_space<vmem_shared>>) offsets(%arg9 : memref<80xi32, #tpu.memory_space<vmem>>) semaphore(%run_scoped3A : memref<!tpu.dma_semaphore, #tpu.memory_space<semaphore_mem>>) {add = true}
        %dma_wait3A_59 = arith.constant 0 : i32
        %dma_wait3A_60 = tpu.memref_slice %arg12[%dma_wait3A_59] : memref<10240xf32, #tpu.memory_space<vmem_shared>> -> memref<10240xf32, #tpu.memory_space<vmem_shared>>
        tpu.wait_indirect_dma semaphore(%run_scoped3A : memref<!tpu.dma_semaphore, #tpu.memory_space<semaphore_mem>>) src(%arg13 : memref<80xf32, #tpu.memory_space<vmem>>) dst(%dma_wait3A_60 : memref<10240xf32, #tpu.memory_space<vmem_shared>>)
        tpu.yield
      }) : () -> ()
      %scan3A_56 = arith.constant 0 : i32
      scf.yield %scan3A_56 : i32
    }
    %scan3A_48 = arith.constant 125 : i32
    %barrier3A_49 = arith.constant 0 : index
    tpu.barrier barrier_id(%barrier3A_49)
    "tpu.region"() ({
      %run_scoped3A = tpu.sem_alloc : memref<!tpu.dma_semaphore, #tpu.memory_space<semaphore_mem>>
      %dma_start3A = arith.constant 0 : i32
      %dma_start3A_50 = tpu.memref_slice %arg5[%arg0, %mul3A_2, %dma_start3A] : memref<2x10240x128xf32, #tpu.memory_space<hbm>> -> memref<1x640x128xf32, #tpu.memory_space<hbm>>
      %dma_start3A_51 = tpu.memref_squeeze %dma_start3A_50 : memref<1x640x128xf32, #tpu.memory_space<hbm>> -> memref<640x128xf32, #tpu.memory_space<hbm>>
      %dma_start3A_52 = arith.constant 0 : i32
      %dma_start3A_53 = tpu.memref_slice %arg7[%mul3A_2, %dma_start3A_52] : memref<10240x128xf32, #tpu.memory_space<vmem_shared>> -> memref<640x128xf32, #tpu.memory_space<vmem_shared>>
      tpu.enqueue_dma source(%dma_start3A_53 : memref<640x128xf32, #tpu.memory_space<vmem_shared>>) target(%dma_start3A_51 : memref<640x128xf32, #tpu.memory_space<hbm>>) target_semaphore(%run_scoped3A : memref<!tpu.dma_semaphore, #tpu.memory_space<semaphore_mem>>)
      %dma_wait3A = arith.constant 0 : i32
      %dma_wait3A_54 = tpu.memref_slice %arg5[%arg0, %mul3A_2, %dma_wait3A] : memref<2x10240x128xf32, #tpu.memory_space<hbm>> -> memref<1x640x128xf32, #tpu.memory_space<hbm>>
      %dma_wait3A_55 = tpu.memref_squeeze %dma_wait3A_54 : memref<1x640x128xf32, #tpu.memory_space<hbm>> -> memref<640x128xf32, #tpu.memory_space<hbm>>
      %dma_wait3A_56 = arith.constant 0 : i32
      %dma_wait3A_57 = tpu.memref_slice %arg7[%mul3A_2, %dma_wait3A_56] : memref<10240x128xf32, #tpu.memory_space<vmem_shared>> -> memref<640x128xf32, #tpu.memory_space<vmem_shared>>
      tpu.wait_dma2 semaphore(%run_scoped3A : memref<!tpu.dma_semaphore, #tpu.memory_space<semaphore_mem>>) src(%dma_wait3A_57 : memref<640x128xf32, #tpu.memory_space<vmem_shared>>) dst(%dma_wait3A_55 : memref<640x128xf32, #tpu.memory_space<hbm>>)
      tpu.yield
    }) : () -> ()
    "tpu.region"() ({
      %run_scoped3A = tpu.sem_alloc : memref<!tpu.dma_semaphore, #tpu.memory_space<semaphore_mem>>
      %dma_start3A = tpu.memref_slice %arg6[%arg0, %mul3A_2] : memref<2x10240xf32, #tpu.memory_space<hbm>> -> memref<1x640xf32, #tpu.memory_space<hbm>>
      %dma_start3A_50 = tpu.memref_squeeze %dma_start3A : memref<1x640xf32, #tpu.memory_space<hbm>> -> memref<640xf32, #tpu.memory_space<hbm>>
      %dma_start3A_51 = tpu.memref_slice %arg12[%mul3A_2] : memref<10240xf32, #tpu.memory_space<vmem_shared>> -> memref<640xf32, #tpu.memory_space<vmem_shared>>
      tpu.enqueue_dma source(%dma_start3A_51 : memref<640xf32, #tpu.memory_space<vmem_shared>>) target(%dma_start3A_50 : memref<640xf32, #tpu.memory_space<hbm>>) target_semaphore(%run_scoped3A : memref<!tpu.dma_semaphore, #tpu.memory_space<semaphore_mem>>)
      %dma_wait3A = tpu.memref_slice %arg6[%arg0, %mul3A_2] : memref<2x10240xf32, #tpu.memory_space<hbm>> -> memref<1x640xf32, #tpu.memory_space<hbm>>
      %dma_wait3A_52 = tpu.memref_squeeze %dma_wait3A : memref<1x640xf32, #tpu.memory_space<hbm>> -> memref<640xf32, #tpu.memory_space<hbm>>
      %dma_wait3A_53 = tpu.memref_slice %arg12[%mul3A_2] : memref<10240xf32, #tpu.memory_space<vmem_shared>> -> memref<640xf32, #tpu.memory_space<vmem_shared>>
      tpu.wait_dma2 semaphore(%run_scoped3A : memref<!tpu.dma_semaphore, #tpu.memory_space<semaphore_mem>>) src(%dma_wait3A_53 : memref<640xf32, #tpu.memory_space<vmem_shared>>) dst(%dma_wait3A_52 : memref<640xf32, #tpu.memory_space<hbm>>)
      tpu.yield
    }) : () -> ()
    return
  }
}

#map = affine_map<(d0, d1) -> (0, 0)>
#map1 = affine_map<(d0, d1) -> (0, 0, 0)>
module attributes {stable_mosaic.version = 14 : i64} {
  func.func @body(%arg0: i32, %arg1: i32, %arg2: memref<10240x128xf32, #tpu.memory_space<hbm>>, %arg3: memref<32x125x80xi32, #tpu.memory_space<hbm>>, %arg4: memref<32x125x80xi32, #tpu.memory_space<hbm>>, %arg5: memref<2x10240x128xf32, #tpu.memory_space<hbm>>, %arg6: memref<10240x128xf32, #tpu.memory_space<vmem_shared>>, %arg7: memref<80xi32, #tpu.memory_space<vmem>>, %arg8: memref<80xi32, #tpu.memory_space<vmem>>, %arg9: memref<80x128xf32, #tpu.memory_space<vmem>>, %arg10: memref<!tpu.dma_semaphore, #tpu.memory_space<semaphore_mem>>) attributes {dimension_semantics = [#tpu.dimension_semantics<core_parallel>, #tpu.dimension_semantics<subcore_parallel>], iteration_bounds = array<i64: 2, 16>, scalar_prefetch = 0 : i64, scratch_operands = 5 : i64, tpu.core_type = #tpu.core_type<sc_vector_subcore>, window_params = [{transform_indices = #map}, {transform_indices = #map1}, {transform_indices = #map1}, {transform_indices = #map1}]} {
    %mul3A = arith.constant 16 : i32
    %mul3A_0 = arith.muli %arg0, %mul3A : i32
    %add3A = arith.addi %mul3A_0, %arg1 : i32
    %mul3A_1 = arith.constant 640 : i32
    %mul3A_2 = arith.muli %arg1, %mul3A_1 : i32
    %broadcast_in_dim3A = arith.constant 0.000000e+00 : f32
    %broadcast_in_dim3A_3 = vector.broadcast %broadcast_in_dim3A : f32 to vector<16xf32>
    %scan3A = arith.constant 0 : i32
    %scan3A_4 = arith.constant 0 : i32
    %scan3A_5 = arith.constant 80 : i32
    %scan3A_6 = arith.addi %scan3A_4, %scan3A_5 : i32
    %scan3A_7 = arith.constant 1 : i32
    %scan3A_8 = scf.for %scan3A_34 = %scan3A_4 to %scan3A_6 step %scan3A_7 iter_args(%scan3A_35 = %scan3A) -> (i32)  : i32 {
      %scan3A_36 = arith.constant 0 : i32
      %scan3A_37 = arith.constant 0 : i32
      %scan3A_38 = arith.constant 8 : i32
      %scan3A_39 = arith.addi %scan3A_37, %scan3A_38 : i32
      %scan3A_40 = arith.constant 1 : i32
      %scan3A_41 = scf.for %scan3A_43 = %scan3A_37 to %scan3A_39 step %scan3A_40 iter_args(%scan3A_44 = %scan3A_36) -> (i32)  : i32 {
        %mul3A_45 = arith.constant 16 : i32
        %mul3A_46 = arith.muli %scan3A_43, %mul3A_45 : i32
        %swap3A = arith.index_cast %scan3A_34 : i32 to index
        %swap3A_47 = arith.index_cast %mul3A_46 : i32 to index
        %swap3A_48 = tpu.vector_load %arg9[%swap3A, %swap3A_47] {strides = array<i32>} : memref<80x128xf32, #tpu.memory_space<vmem>>, vector<1x16xf32>,
        %swap3A_49 = vector.shape_cast %swap3A_48 : vector<1x16xf32> to vector<16xf32>
        %swap3A_50 = vector.shape_cast %broadcast_in_dim3A_3 : vector<16xf32> to vector<1x16xf32>
        tpu.vector_store %arg9[%swap3A, %swap3A_47], %swap3A_50 {strides = array<i32>} : memref<80x128xf32, #tpu.memory_space<vmem>>, vector<1x16xf32>,
        %scan3A_51 = arith.constant 0 : i32
        scf.yield %scan3A_51 : i32
      }
      %scan3A_42 = arith.constant 8 : i32
      scf.yield %scan3A_41 : i32
    }
    %scan3A_9 = arith.constant 80 : i32
    %add3A_10 = arith.constant 0 : i32
    %add3A_11 = arith.addi %mul3A_2, %add3A_10 : i32
    "tpu.region"() ({
      %run_scoped3A = tpu.sem_alloc : memref<!tpu.dma_semaphore, #tpu.memory_space<semaphore_mem>>
      %dma_start3A = arith.constant 0 : i32
      %dma_start3A_34 = tpu.memref_slice %arg6[%add3A_11, %dma_start3A] : memref<10240x128xf32, #tpu.memory_space<vmem_shared>> -> memref<80x128xf32, #tpu.memory_space<vmem_shared>>
      %dma_start3A_35 = arith.constant 0 : i32
      %dma_start3A_36 = tpu.memref_slice %arg6[%add3A_11, %dma_start3A_35] : memref<10240x128xf32, #tpu.memory_space<vmem_shared>> -> memref<80x128xf32, #tpu.memory_space<vmem_shared>>
      tpu.enqueue_dma source(%arg9 : memref<80x128xf32, #tpu.memory_space<vmem>>) target(%dma_start3A_36 : memref<80x128xf32, #tpu.memory_space<vmem_shared>>) target_semaphore(%run_scoped3A : memref<!tpu.dma_semaphore, #tpu.memory_space<semaphore_mem>>)
      %dma_wait3A = arith.constant 0 : i32
      %dma_wait3A_37 = tpu.memref_slice %arg6[%add3A_11, %dma_wait3A] : memref<10240x128xf32, #tpu.memory_space<vmem_shared>> -> memref<80x128xf32, #tpu.memory_space<vmem_shared>>
      %dma_wait3A_38 = arith.constant 0 : i32
      %dma_wait3A_39 = tpu.memref_slice %arg6[%add3A_11, %dma_wait3A_38] : memref<10240x128xf32, #tpu.memory_space<vmem_shared>> -> memref<80x128xf32, #tpu.memory_space<vmem_shared>>
      tpu.wait_dma2 semaphore(%run_scoped3A : memref<!tpu.dma_semaphore, #tpu.memory_space<semaphore_mem>>) src(%arg9 : memref<80x128xf32, #tpu.memory_space<vmem>>) dst(%dma_wait3A_39 : memref<80x128xf32, #tpu.memory_space<vmem_shared>>)
      tpu.yield
    }) : () -> ()
    %add3A_12 = arith.constant 80 : i32
    %add3A_13 = arith.addi %mul3A_2, %add3A_12 : i32
    "tpu.region"() ({
      %run_scoped3A = tpu.sem_alloc : memref<!tpu.dma_semaphore, #tpu.memory_space<semaphore_mem>>
      %dma_start3A = arith.constant 0 : i32
      %dma_start3A_34 = tpu.memref_slice %arg6[%add3A_13, %dma_start3A] : memref<10240x128xf32, #tpu.memory_space<vmem_shared>> -> memref<80x128xf32, #tpu.memory_space<vmem_shared>>
      %dma_start3A_35 = arith.constant 0 : i32
      %dma_start3A_36 = tpu.memref_slice %arg6[%add3A_13, %dma_start3A_35] : memref<10240x128xf32, #tpu.memory_space<vmem_shared>> -> memref<80x128xf32, #tpu.memory_space<vmem_shared>>
      tpu.enqueue_dma source(%arg9 : memref<80x128xf32, #tpu.memory_space<vmem>>) target(%dma_start3A_36 : memref<80x128xf32, #tpu.memory_space<vmem_shared>>) target_semaphore(%run_scoped3A : memref<!tpu.dma_semaphore, #tpu.memory_space<semaphore_mem>>)
      %dma_wait3A = arith.constant 0 : i32
      %dma_wait3A_37 = tpu.memref_slice %arg6[%add3A_13, %dma_wait3A] : memref<10240x128xf32, #tpu.memory_space<vmem_shared>> -> memref<80x128xf32, #tpu.memory_space<vmem_shared>>
      %dma_wait3A_38 = arith.constant 0 : i32
      %dma_wait3A_39 = tpu.memref_slice %arg6[%add3A_13, %dma_wait3A_38] : memref<10240x128xf32, #tpu.memory_space<vmem_shared>> -> memref<80x128xf32, #tpu.memory_space<vmem_shared>>
      tpu.wait_dma2 semaphore(%run_scoped3A : memref<!tpu.dma_semaphore, #tpu.memory_space<semaphore_mem>>) src(%arg9 : memref<80x128xf32, #tpu.memory_space<vmem>>) dst(%dma_wait3A_39 : memref<80x128xf32, #tpu.memory_space<vmem_shared>>)
      tpu.yield
    }) : () -> ()
    %add3A_14 = arith.constant 160 : i32
    %add3A_15 = arith.addi %mul3A_2, %add3A_14 : i32
    "tpu.region"() ({
      %run_scoped3A = tpu.sem_alloc : memref<!tpu.dma_semaphore, #tpu.memory_space<semaphore_mem>>
      %dma_start3A = arith.constant 0 : i32
      %dma_start3A_34 = tpu.memref_slice %arg6[%add3A_15, %dma_start3A] : memref<10240x128xf32, #tpu.memory_space<vmem_shared>> -> memref<80x128xf32, #tpu.memory_space<vmem_shared>>
      %dma_start3A_35 = arith.constant 0 : i32
      %dma_start3A_36 = tpu.memref_slice %arg6[%add3A_15, %dma_start3A_35] : memref<10240x128xf32, #tpu.memory_space<vmem_shared>> -> memref<80x128xf32, #tpu.memory_space<vmem_shared>>
      tpu.enqueue_dma source(%arg9 : memref<80x128xf32, #tpu.memory_space<vmem>>) target(%dma_start3A_36 : memref<80x128xf32, #tpu.memory_space<vmem_shared>>) target_semaphore(%run_scoped3A : memref<!tpu.dma_semaphore, #tpu.memory_space<semaphore_mem>>)
      %dma_wait3A = arith.constant 0 : i32
      %dma_wait3A_37 = tpu.memref_slice %arg6[%add3A_15, %dma_wait3A] : memref<10240x128xf32, #tpu.memory_space<vmem_shared>> -> memref<80x128xf32, #tpu.memory_space<vmem_shared>>
      %dma_wait3A_38 = arith.constant 0 : i32
      %dma_wait3A_39 = tpu.memref_slice %arg6[%add3A_15, %dma_wait3A_38] : memref<10240x128xf32, #tpu.memory_space<vmem_shared>> -> memref<80x128xf32, #tpu.memory_space<vmem_shared>>
      tpu.wait_dma2 semaphore(%run_scoped3A : memref<!tpu.dma_semaphore, #tpu.memory_space<semaphore_mem>>) src(%arg9 : memref<80x128xf32, #tpu.memory_space<vmem>>) dst(%dma_wait3A_39 : memref<80x128xf32, #tpu.memory_space<vmem_shared>>)
      tpu.yield
    }) : () -> ()
    %add3A_16 = arith.constant 240 : i32
    %add3A_17 = arith.addi %mul3A_2, %add3A_16 : i32
    "tpu.region"() ({
      %run_scoped3A = tpu.sem_alloc : memref<!tpu.dma_semaphore, #tpu.memory_space<semaphore_mem>>
      %dma_start3A = arith.constant 0 : i32
      %dma_start3A_34 = tpu.memref_slice %arg6[%add3A_17, %dma_start3A] : memref<10240x128xf32, #tpu.memory_space<vmem_shared>> -> memref<80x128xf32, #tpu.memory_space<vmem_shared>>
      %dma_start3A_35 = arith.constant 0 : i32
      %dma_start3A_36 = tpu.memref_slice %arg6[%add3A_17, %dma_start3A_35] : memref<10240x128xf32, #tpu.memory_space<vmem_shared>> -> memref<80x128xf32, #tpu.memory_space<vmem_shared>>
      tpu.enqueue_dma source(%arg9 : memref<80x128xf32, #tpu.memory_space<vmem>>) target(%dma_start3A_36 : memref<80x128xf32, #tpu.memory_space<vmem_shared>>) target_semaphore(%run_scoped3A : memref<!tpu.dma_semaphore, #tpu.memory_space<semaphore_mem>>)
      %dma_wait3A = arith.constant 0 : i32
      %dma_wait3A_37 = tpu.memref_slice %arg6[%add3A_17, %dma_wait3A] : memref<10240x128xf32, #tpu.memory_space<vmem_shared>> -> memref<80x128xf32, #tpu.memory_space<vmem_shared>>
      %dma_wait3A_38 = arith.constant 0 : i32
      %dma_wait3A_39 = tpu.memref_slice %arg6[%add3A_17, %dma_wait3A_38] : memref<10240x128xf32, #tpu.memory_space<vmem_shared>> -> memref<80x128xf32, #tpu.memory_space<vmem_shared>>
      tpu.wait_dma2 semaphore(%run_scoped3A : memref<!tpu.dma_semaphore, #tpu.memory_space<semaphore_mem>>) src(%arg9 : memref<80x128xf32, #tpu.memory_space<vmem>>) dst(%dma_wait3A_39 : memref<80x128xf32, #tpu.memory_space<vmem_shared>>)
      tpu.yield
    }) : () -> ()
    %add3A_18 = arith.constant 320 : i32
    %add3A_19 = arith.addi %mul3A_2, %add3A_18 : i32
    "tpu.region"() ({
      %run_scoped3A = tpu.sem_alloc : memref<!tpu.dma_semaphore, #tpu.memory_space<semaphore_mem>>
      %dma_start3A = arith.constant 0 : i32
      %dma_start3A_34 = tpu.memref_slice %arg6[%add3A_19, %dma_start3A] : memref<10240x128xf32, #tpu.memory_space<vmem_shared>> -> memref<80x128xf32, #tpu.memory_space<vmem_shared>>
      %dma_start3A_35 = arith.constant 0 : i32
      %dma_start3A_36 = tpu.memref_slice %arg6[%add3A_19, %dma_start3A_35] : memref<10240x128xf32, #tpu.memory_space<vmem_shared>> -> memref<80x128xf32, #tpu.memory_space<vmem_shared>>
      tpu.enqueue_dma source(%arg9 : memref<80x128xf32, #tpu.memory_space<vmem>>) target(%dma_start3A_36 : memref<80x128xf32, #tpu.memory_space<vmem_shared>>) target_semaphore(%run_scoped3A : memref<!tpu.dma_semaphore, #tpu.memory_space<semaphore_mem>>)
      %dma_wait3A = arith.constant 0 : i32
      %dma_wait3A_37 = tpu.memref_slice %arg6[%add3A_19, %dma_wait3A] : memref<10240x128xf32, #tpu.memory_space<vmem_shared>> -> memref<80x128xf32, #tpu.memory_space<vmem_shared>>
      %dma_wait3A_38 = arith.constant 0 : i32
      %dma_wait3A_39 = tpu.memref_slice %arg6[%add3A_19, %dma_wait3A_38] : memref<10240x128xf32, #tpu.memory_space<vmem_shared>> -> memref<80x128xf32, #tpu.memory_space<vmem_shared>>
      tpu.wait_dma2 semaphore(%run_scoped3A : memref<!tpu.dma_semaphore, #tpu.memory_space<semaphore_mem>>) src(%arg9 : memref<80x128xf32, #tpu.memory_space<vmem>>) dst(%dma_wait3A_39 : memref<80x128xf32, #tpu.memory_space<vmem_shared>>)
      tpu.yield
    }) : () -> ()
    %add3A_20 = arith.constant 400 : i32
    %add3A_21 = arith.addi %mul3A_2, %add3A_20 : i32
    "tpu.region"() ({
      %run_scoped3A = tpu.sem_alloc : memref<!tpu.dma_semaphore, #tpu.memory_space<semaphore_mem>>
      %dma_start3A = arith.constant 0 : i32
      %dma_start3A_34 = tpu.memref_slice %arg6[%add3A_21, %dma_start3A] : memref<10240x128xf32, #tpu.memory_space<vmem_shared>> -> memref<80x128xf32, #tpu.memory_space<vmem_shared>>
      %dma_start3A_35 = arith.constant 0 : i32
      %dma_start3A_36 = tpu.memref_slice %arg6[%add3A_21, %dma_start3A_35] : memref<10240x128xf32, #tpu.memory_space<vmem_shared>> -> memref<80x128xf32, #tpu.memory_space<vmem_shared>>
      tpu.enqueue_dma source(%arg9 : memref<80x128xf32, #tpu.memory_space<vmem>>) target(%dma_start3A_36 : memref<80x128xf32, #tpu.memory_space<vmem_shared>>) target_semaphore(%run_scoped3A : memref<!tpu.dma_semaphore, #tpu.memory_space<semaphore_mem>>)
      %dma_wait3A = arith.constant 0 : i32
      %dma_wait3A_37 = tpu.memref_slice %arg6[%add3A_21, %dma_wait3A] : memref<10240x128xf32, #tpu.memory_space<vmem_shared>> -> memref<80x128xf32, #tpu.memory_space<vmem_shared>>
      %dma_wait3A_38 = arith.constant 0 : i32
      %dma_wait3A_39 = tpu.memref_slice %arg6[%add3A_21, %dma_wait3A_38] : memref<10240x128xf32, #tpu.memory_space<vmem_shared>> -> memref<80x128xf32, #tpu.memory_space<vmem_shared>>
      tpu.wait_dma2 semaphore(%run_scoped3A : memref<!tpu.dma_semaphore, #tpu.memory_space<semaphore_mem>>) src(%arg9 : memref<80x128xf32, #tpu.memory_space<vmem>>) dst(%dma_wait3A_39 : memref<80x128xf32, #tpu.memory_space<vmem_shared>>)
      tpu.yield
    }) : () -> ()
    %add3A_22 = arith.constant 480 : i32
    %add3A_23 = arith.addi %mul3A_2, %add3A_22 : i32
    "tpu.region"() ({
      %run_scoped3A = tpu.sem_alloc : memref<!tpu.dma_semaphore, #tpu.memory_space<semaphore_mem>>
      %dma_start3A = arith.constant 0 : i32
      %dma_start3A_34 = tpu.memref_slice %arg6[%add3A_23, %dma_start3A] : memref<10240x128xf32, #tpu.memory_space<vmem_shared>> -> memref<80x128xf32, #tpu.memory_space<vmem_shared>>
      %dma_start3A_35 = arith.constant 0 : i32
      %dma_start3A_36 = tpu.memref_slice %arg6[%add3A_23, %dma_start3A_35] : memref<10240x128xf32, #tpu.memory_space<vmem_shared>> -> memref<80x128xf32, #tpu.memory_space<vmem_shared>>
      tpu.enqueue_dma source(%arg9 : memref<80x128xf32, #tpu.memory_space<vmem>>) target(%dma_start3A_36 : memref<80x128xf32, #tpu.memory_space<vmem_shared>>) target_semaphore(%run_scoped3A : memref<!tpu.dma_semaphore, #tpu.memory_space<semaphore_mem>>)
      %dma_wait3A = arith.constant 0 : i32
      %dma_wait3A_37 = tpu.memref_slice %arg6[%add3A_23, %dma_wait3A] : memref<10240x128xf32, #tpu.memory_space<vmem_shared>> -> memref<80x128xf32, #tpu.memory_space<vmem_shared>>
      %dma_wait3A_38 = arith.constant 0 : i32
      %dma_wait3A_39 = tpu.memref_slice %arg6[%add3A_23, %dma_wait3A_38] : memref<10240x128xf32, #tpu.memory_space<vmem_shared>> -> memref<80x128xf32, #tpu.memory_space<vmem_shared>>
      tpu.wait_dma2 semaphore(%run_scoped3A : memref<!tpu.dma_semaphore, #tpu.memory_space<semaphore_mem>>) src(%arg9 : memref<80x128xf32, #tpu.memory_space<vmem>>) dst(%dma_wait3A_39 : memref<80x128xf32, #tpu.memory_space<vmem_shared>>)
      tpu.yield
    }) : () -> ()
    %add3A_24 = arith.constant 560 : i32
    %add3A_25 = arith.addi %mul3A_2, %add3A_24 : i32
    "tpu.region"() ({
      %run_scoped3A = tpu.sem_alloc : memref<!tpu.dma_semaphore, #tpu.memory_space<semaphore_mem>>
      %dma_start3A = arith.constant 0 : i32
      %dma_start3A_34 = tpu.memref_slice %arg6[%add3A_25, %dma_start3A] : memref<10240x128xf32, #tpu.memory_space<vmem_shared>> -> memref<80x128xf32, #tpu.memory_space<vmem_shared>>
      %dma_start3A_35 = arith.constant 0 : i32
      %dma_start3A_36 = tpu.memref_slice %arg6[%add3A_25, %dma_start3A_35] : memref<10240x128xf32, #tpu.memory_space<vmem_shared>> -> memref<80x128xf32, #tpu.memory_space<vmem_shared>>
      tpu.enqueue_dma source(%arg9 : memref<80x128xf32, #tpu.memory_space<vmem>>) target(%dma_start3A_36 : memref<80x128xf32, #tpu.memory_space<vmem_shared>>) target_semaphore(%run_scoped3A : memref<!tpu.dma_semaphore, #tpu.memory_space<semaphore_mem>>)
      %dma_wait3A = arith.constant 0 : i32
      %dma_wait3A_37 = tpu.memref_slice %arg6[%add3A_25, %dma_wait3A] : memref<10240x128xf32, #tpu.memory_space<vmem_shared>> -> memref<80x128xf32, #tpu.memory_space<vmem_shared>>
      %dma_wait3A_38 = arith.constant 0 : i32
      %dma_wait3A_39 = tpu.memref_slice %arg6[%add3A_25, %dma_wait3A_38] : memref<10240x128xf32, #tpu.memory_space<vmem_shared>> -> memref<80x128xf32, #tpu.memory_space<vmem_shared>>
      tpu.wait_dma2 semaphore(%run_scoped3A : memref<!tpu.dma_semaphore, #tpu.memory_space<semaphore_mem>>) src(%arg9 : memref<80x128xf32, #tpu.memory_space<vmem>>) dst(%dma_wait3A_39 : memref<80x128xf32, #tpu.memory_space<vmem_shared>>)
      tpu.yield
    }) : () -> ()
    %barrier3A = arith.constant 0 : index
    tpu.barrier barrier_id(%barrier3A)
    %scan3A_26 = arith.constant 0 : i32
    %scan3A_27 = arith.constant 0 : i32
    %scan3A_28 = arith.constant 125 : i32
    %scan3A_29 = arith.addi %scan3A_27, %scan3A_28 : i32
    %scan3A_30 = arith.constant 1 : i32
    %scan3A_31 = scf.for %scan3A_34 = %scan3A_27 to %scan3A_29 step %scan3A_30 iter_args(%scan3A_35 = %scan3A_26) -> (i32)  : i32 {
      "tpu.region"() ({
        %run_scoped3A = tpu.sem_alloc : memref<!tpu.dma_semaphore, #tpu.memory_space<semaphore_mem>>
        %dma_start3A_41 = arith.constant 0 : i32
        %dma_start3A_42 = tpu.memref_slice %arg3[%add3A, %scan3A_34, %dma_start3A_41] : memref<32x125x80xi32, #tpu.memory_space<hbm>> -> memref<1x1x80xi32, #tpu.memory_space<hbm>>
        %dma_start3A_43 = tpu.memref_squeeze %dma_start3A_42 : memref<1x1x80xi32, #tpu.memory_space<hbm>> -> memref<80xi32, #tpu.memory_space<hbm>>
        %dma_start3A_44 = arith.constant 0 : i32
        %dma_start3A_45 = tpu.memref_slice %arg3[%add3A, %scan3A_34, %dma_start3A_44] : memref<32x125x80xi32, #tpu.memory_space<hbm>> -> memref<1x1x80xi32, #tpu.memory_space<hbm>>
        %dma_start3A_46 = tpu.memref_squeeze %dma_start3A_45 : memref<1x1x80xi32, #tpu.memory_space<hbm>> -> memref<80xi32, #tpu.memory_space<hbm>>
        tpu.enqueue_dma source(%dma_start3A_46 : memref<80xi32, #tpu.memory_space<hbm>>) target(%arg7 : memref<80xi32, #tpu.memory_space<vmem>>) target_semaphore(%run_scoped3A : memref<!tpu.dma_semaphore, #tpu.memory_space<semaphore_mem>>)
        %dma_wait3A_47 = arith.constant 0 : i32
        %dma_wait3A_48 = tpu.memref_slice %arg3[%add3A, %scan3A_34, %dma_wait3A_47] : memref<32x125x80xi32, #tpu.memory_space<hbm>> -> memref<1x1x80xi32, #tpu.memory_space<hbm>>
        %dma_wait3A_49 = tpu.memref_squeeze %dma_wait3A_48 : memref<1x1x80xi32, #tpu.memory_space<hbm>> -> memref<80xi32, #tpu.memory_space<hbm>>
        %dma_wait3A_50 = arith.constant 0 : i32
        %dma_wait3A_51 = tpu.memref_slice %arg3[%add3A, %scan3A_34, %dma_wait3A_50] : memref<32x125x80xi32, #tpu.memory_space<hbm>> -> memref<1x1x80xi32, #tpu.memory_space<hbm>>
        %dma_wait3A_52 = tpu.memref_squeeze %dma_wait3A_51 : memref<1x1x80xi32, #tpu.memory_space<hbm>> -> memref<80xi32, #tpu.memory_space<hbm>>
        tpu.wait_dma2 semaphore(%run_scoped3A : memref<!tpu.dma_semaphore, #tpu.memory_space<semaphore_mem>>) src(%dma_wait3A_52 : memref<80xi32, #tpu.memory_space<hbm>>) dst(%arg7 : memref<80xi32, #tpu.memory_space<vmem>>)
        tpu.yield
      }) : () -> ()
      "tpu.region"() ({
        %run_scoped3A = tpu.sem_alloc : memref<!tpu.dma_semaphore, #tpu.memory_space<semaphore_mem>>
        %dma_start3A_41 = arith.constant 0 : i32
        %dma_start3A_42 = tpu.memref_slice %arg4[%add3A, %scan3A_34, %dma_start3A_41] : memref<32x125x80xi32, #tpu.memory_space<hbm>> -> memref<1x1x80xi32, #tpu.memory_space<hbm>>
        %dma_start3A_43 = tpu.memref_squeeze %dma_start3A_42 : memref<1x1x80xi32, #tpu.memory_space<hbm>> -> memref<80xi32, #tpu.memory_space<hbm>>
        %dma_start3A_44 = arith.constant 0 : i32
        %dma_start3A_45 = tpu.memref_slice %arg4[%add3A, %scan3A_34, %dma_start3A_44] : memref<32x125x80xi32, #tpu.memory_space<hbm>> -> memref<1x1x80xi32, #tpu.memory_space<hbm>>
        %dma_start3A_46 = tpu.memref_squeeze %dma_start3A_45 : memref<1x1x80xi32, #tpu.memory_space<hbm>> -> memref<80xi32, #tpu.memory_space<hbm>>
        tpu.enqueue_dma source(%dma_start3A_46 : memref<80xi32, #tpu.memory_space<hbm>>) target(%arg8 : memref<80xi32, #tpu.memory_space<vmem>>) target_semaphore(%run_scoped3A : memref<!tpu.dma_semaphore, #tpu.memory_space<semaphore_mem>>)
        %dma_wait3A_47 = arith.constant 0 : i32
        %dma_wait3A_48 = tpu.memref_slice %arg4[%add3A, %scan3A_34, %dma_wait3A_47] : memref<32x125x80xi32, #tpu.memory_space<hbm>> -> memref<1x1x80xi32, #tpu.memory_space<hbm>>
        %dma_wait3A_49 = tpu.memref_squeeze %dma_wait3A_48 : memref<1x1x80xi32, #tpu.memory_space<hbm>> -> memref<80xi32, #tpu.memory_space<hbm>>
        %dma_wait3A_50 = arith.constant 0 : i32
        %dma_wait3A_51 = tpu.memref_slice %arg4[%add3A, %scan3A_34, %dma_wait3A_50] : memref<32x125x80xi32, #tpu.memory_space<hbm>> -> memref<1x1x80xi32, #tpu.memory_space<hbm>>
        %dma_wait3A_52 = tpu.memref_squeeze %dma_wait3A_51 : memref<1x1x80xi32, #tpu.memory_space<hbm>> -> memref<80xi32, #tpu.memory_space<hbm>>
        tpu.wait_dma2 semaphore(%run_scoped3A : memref<!tpu.dma_semaphore, #tpu.memory_space<semaphore_mem>>) src(%dma_wait3A_52 : memref<80xi32, #tpu.memory_space<hbm>>) dst(%arg8 : memref<80xi32, #tpu.memory_space<vmem>>)
        tpu.yield
      }) : () -> ()
      %dma_start3A = arith.constant 0 : i32
      %dma_start3A_36 = arith.constant 0 : i32
      %dma_start3A_37 = tpu.memref_slice %arg2[%dma_start3A, %dma_start3A_36] : memref<10240x128xf32, #tpu.memory_space<hbm>> -> memref<10240x128xf32, #tpu.memory_space<hbm>>
      tpu.enqueue_indirect_dma source(%dma_start3A_37 : memref<10240x128xf32, #tpu.memory_space<hbm>>) target(%arg9 : memref<80x128xf32, #tpu.memory_space<vmem>>) offsets(%arg7 : memref<80xi32, #tpu.memory_space<vmem>>) semaphore(%arg10 : memref<!tpu.dma_semaphore, #tpu.memory_space<semaphore_mem>>)
      %dma_wait3A = arith.constant 0 : i32
      %dma_wait3A_38 = arith.constant 0 : i32
      %dma_wait3A_39 = tpu.memref_slice %arg2[%dma_wait3A, %dma_wait3A_38] : memref<10240x128xf32, #tpu.memory_space<hbm>> -> memref<10240x128xf32, #tpu.memory_space<hbm>>
      tpu.wait_indirect_dma semaphore(%arg10 : memref<!tpu.dma_semaphore, #tpu.memory_space<semaphore_mem>>) src(%dma_wait3A_39 : memref<10240x128xf32, #tpu.memory_space<hbm>>) dst(%arg9 : memref<80x128xf32, #tpu.memory_space<vmem>>)
      "tpu.region"() ({
        %run_scoped3A = tpu.sem_alloc : memref<!tpu.dma_semaphore, #tpu.memory_space<semaphore_mem>>
        %dma_start3A_41 = arith.constant 0 : i32
        %dma_start3A_42 = arith.constant 0 : i32
        %dma_start3A_43 = tpu.memref_slice %arg6[%dma_start3A_41, %dma_start3A_42] : memref<10240x128xf32, #tpu.memory_space<vmem_shared>> -> memref<10240x128xf32, #tpu.memory_space<vmem_shared>>
        tpu.enqueue_indirect_dma source(%arg9 : memref<80x128xf32, #tpu.memory_space<vmem>>) target(%dma_start3A_43 : memref<10240x128xf32, #tpu.memory_space<vmem_shared>>) offsets(%arg8 : memref<80xi32, #tpu.memory_space<vmem>>) semaphore(%run_scoped3A : memref<!tpu.dma_semaphore, #tpu.memory_space<semaphore_mem>>) {add = true}
        %dma_wait3A_44 = arith.constant 0 : i32
        %dma_wait3A_45 = arith.constant 0 : i32
        %dma_wait3A_46 = tpu.memref_slice %arg6[%dma_wait3A_44, %dma_wait3A_45] : memref<10240x128xf32, #tpu.memory_space<vmem_shared>> -> memref<10240x128xf32, #tpu.memory_space<vmem_shared>>
        tpu.wait_indirect_dma semaphore(%run_scoped3A : memref<!tpu.dma_semaphore, #tpu.memory_space<semaphore_mem>>) src(%arg9 : memref<80x128xf32, #tpu.memory_space<vmem>>) dst(%dma_wait3A_46 : memref<10240x128xf32, #tpu.memory_space<vmem_shared>>)
        tpu.yield
      }) : () -> ()
      %scan3A_40 = arith.constant 0 : i32
      scf.yield %scan3A_40 : i32
    }
    %scan3A_32 = arith.constant 125 : i32
    %barrier3A_33 = arith.constant 0 : index
    tpu.barrier barrier_id(%barrier3A_33)
    "tpu.region"() ({
      %run_scoped3A = tpu.sem_alloc : memref<!tpu.dma_semaphore, #tpu.memory_space<semaphore_mem>>
      %dma_start3A = arith.constant 0 : i32
      %dma_start3A_34 = tpu.memref_slice %arg5[%arg0, %mul3A_2, %dma_start3A] : memref<2x10240x128xf32, #tpu.memory_space<hbm>> -> memref<1x640x128xf32, #tpu.memory_space<hbm>>
      %dma_start3A_35 = tpu.memref_squeeze %dma_start3A_34 : memref<1x640x128xf32, #tpu.memory_space<hbm>> -> memref<640x128xf32, #tpu.memory_space<hbm>>
      %dma_start3A_36 = arith.constant 0 : i32
      %dma_start3A_37 = tpu.memref_slice %arg6[%mul3A_2, %dma_start3A_36] : memref<10240x128xf32, #tpu.memory_space<vmem_shared>> -> memref<640x128xf32, #tpu.memory_space<vmem_shared>>
      tpu.enqueue_dma source(%dma_start3A_37 : memref<640x128xf32, #tpu.memory_space<vmem_shared>>) target(%dma_start3A_35 : memref<640x128xf32, #tpu.memory_space<hbm>>) target_semaphore(%run_scoped3A : memref<!tpu.dma_semaphore, #tpu.memory_space<semaphore_mem>>)
      %dma_wait3A = arith.constant 0 : i32
      %dma_wait3A_38 = tpu.memref_slice %arg5[%arg0, %mul3A_2, %dma_wait3A] : memref<2x10240x128xf32, #tpu.memory_space<hbm>> -> memref<1x640x128xf32, #tpu.memory_space<hbm>>
      %dma_wait3A_39 = tpu.memref_squeeze %dma_wait3A_38 : memref<1x640x128xf32, #tpu.memory_space<hbm>> -> memref<640x128xf32, #tpu.memory_space<hbm>>
      %dma_wait3A_40 = arith.constant 0 : i32
      %dma_wait3A_41 = tpu.memref_slice %arg6[%mul3A_2, %dma_wait3A_40] : memref<10240x128xf32, #tpu.memory_space<vmem_shared>> -> memref<640x128xf32, #tpu.memory_space<vmem_shared>>
      tpu.wait_dma2 semaphore(%run_scoped3A : memref<!tpu.dma_semaphore, #tpu.memory_space<semaphore_mem>>) src(%dma_wait3A_41 : memref<640x128xf32, #tpu.memory_space<vmem_shared>>) dst(%dma_wait3A_39 : memref<640x128xf32, #tpu.memory_space<hbm>>)
      tpu.yield
    }) : () -> ()
    return
  }
}

module attributes {stable_mosaic.version = 14 : i64} {
  func.func @_merge_body(%arg0: i32, %arg1: memref<2x512x128xf32, #tpu.memory_space<vmem>>, %arg2: memref<2x512x1xf32, #tpu.memory_space<vmem>>, %arg3: memref<512x128xf32, #tpu.memory_space<vmem>>) attributes {dimension_semantics = [#tpu.dimension_semantics<arbitrary>], iteration_bounds = array<i64: 20>, scalar_prefetch = 0 : i64, scratch_operands = 0 : i64, tpu.core_type = #tpu.core_type<tc>, window_params = [{transform_indices = @transform_0, window_bounds = array<i64: 2, 512, 128>}, {transform_indices = @transform_1, window_bounds = array<i64: 2, 512, 1>}, {transform_indices = @transform_2, window_bounds = array<i64: 512, 128>}]} {
    %get3A = arith.constant 0 : index
    %get3A_0 = arith.constant 0 : index
    %get3A_1 = arith.constant 0 : index
    %get3A_2 = vector.load %arg2[%get3A, %get3A_0, %get3A_1] : memref<2x512x1xf32, #tpu.memory_space<vmem>>, vector<1x512x1xf32>
    %get3A_3 = vector.shape_cast %get3A_2 : vector<1x512x1xf32> to vector<512x1xf32>
    %get3A_4 = arith.constant 1 : index
    %get3A_5 = arith.constant 0 : index
    %get3A_6 = arith.constant 0 : index
    %get3A_7 = vector.load %arg2[%get3A_4, %get3A_5, %get3A_6] : memref<2x512x1xf32, #tpu.memory_space<vmem>>, vector<1x512x1xf32>
    %get3A_8 = vector.shape_cast %get3A_7 : vector<1x512x1xf32> to vector<512x1xf32>
    %add3A = arith.addf %get3A_3, %get3A_8 : vector<512x1xf32>
    %jit3A = arith.constant 1.000000e+00 : f32
    %max3A = vector.broadcast %jit3A : f32 to vector<512x1xf32>
    %max3A_9 = arith.maximumf %max3A, %add3A : vector<512x1xf32>
    %get3A_10 = arith.constant 0 : index
    %get3A_11 = arith.constant 0 : index
    %get3A_12 = arith.constant 0 : index
    %get3A_13 = vector.load %arg1[%get3A_10, %get3A_11, %get3A_12] : memref<2x512x128xf32, #tpu.memory_space<vmem>>, vector<1x512x128xf32>
    %get3A_14 = vector.shape_cast %get3A_13 : vector<1x512x128xf32> to vector<512x128xf32>
    %get3A_15 = arith.constant 1 : index
    %get3A_16 = arith.constant 0 : index
    %get3A_17 = arith.constant 0 : index
    %get3A_18 = vector.load %arg1[%get3A_15, %get3A_16, %get3A_17] : memref<2x512x128xf32, #tpu.memory_space<vmem>>, vector<1x512x128xf32>
    %get3A_19 = vector.shape_cast %get3A_18 : vector<1x512x128xf32> to vector<512x128xf32>
    %add3A_20 = arith.addf %get3A_14, %get3A_19 : vector<512x128xf32>
    %div3A = vector.broadcast %max3A_9 : vector<512x1xf32> to vector<512x128xf32>
    %div3A_21 = arith.divf %add3A_20, %div3A : vector<512x128xf32>
    %swap3A = arith.constant 0 : index
    %swap3A_22 = arith.constant 0 : index
    %swap3A_23 = vector.load %arg3[%swap3A, %swap3A_22] : memref<512x128xf32, #tpu.memory_space<vmem>>, vector<512x128xf32>
    tpu.vector_store %arg3[%swap3A, %swap3A_22], %div3A_21 {strides = array<i32>} : memref<512x128xf32, #tpu.memory_space<vmem>>, vector<512x128xf32>,
    return
  }
  func.func @transform_0(%arg0: i32) -> (i32, i32, i32) {
    %c0_i32 = arith.constant 0 : i32
    %c0_i32_0 = arith.constant 0 : i32
    %c0_i32_1 = arith.constant 0 : i32
    return %c0_i32, %arg0, %c0_i32_0 : i32, i32, i32
  }
  func.func @transform_1(%arg0: i32) -> (i32, i32, i32) {
    %c0_i32 = arith.constant 0 : i32
    %c0_i32_0 = arith.constant 0 : i32
    %c0_i32_1 = arith.constant 0 : i32
    return %c0_i32, %arg0, %c0_i32_0 : i32, i32, i32
  }
  func.func @transform_2(%arg0: i32) -> (i32, i32) {
    %c0_i32 = arith.constant 0 : i32
    %c0_i32_0 = arith.constant 0 : i32
    return %arg0, %c0_i32 : i32, i32
  }
}

module attributes {stable_mosaic.version = 14 : i64} {
  func.func @_final_body(%arg0: i32, %arg1: memref<2x400x128xf32, #tpu.memory_space<vmem>>, %arg2: memref<2x400x1xf32, #tpu.memory_space<vmem>>, %arg3: memref<400x128xf32, #tpu.memory_space<vmem>>, %arg4: memref<400x128xf32, #tpu.memory_space<vmem>>, %arg5: memref<2x256x128xf32, #tpu.memory_space<vmem>>, %arg6: memref<2x128xf32, #tpu.memory_space<vmem>>, %arg7: memref<2x128xf32, #tpu.memory_space<vmem>>, %arg8: memref<128x128xf32, #tpu.memory_space<vmem>>, %arg9: memref<1x128xf32, #tpu.memory_space<vmem>>, %arg10: memref<1x128xf32, #tpu.memory_space<vmem>>, %arg11: memref<400x128xf32, #tpu.memory_space<vmem>>) attributes {dimension_semantics = [#tpu.dimension_semantics<arbitrary>], iteration_bounds = array<i64: 25>, scalar_prefetch = 0 : i64, scratch_operands = 0 : i64, tpu.core_type = #tpu.core_type<tc>, window_params = [{transform_indices = @transform_0, window_bounds = array<i64: 2, 400, 128>}, {transform_indices = @transform_1, window_bounds = array<i64: 2, 400, 1>}, {transform_indices = @transform_2, window_bounds = array<i64: 400, 128>}, {transform_indices = @transform_3, window_bounds = array<i64: 400, 128>}, {pipeline_mode = #tpu.pipeline_mode<synchronous>, transform_indices = @transform_4, window_bounds = array<i64: 2, 256, 128>}, {pipeline_mode = #tpu.pipeline_mode<synchronous>, transform_indices = @transform_5, window_bounds = array<i64: 2, 128>}, {pipeline_mode = #tpu.pipeline_mode<synchronous>, transform_indices = @transform_6, window_bounds = array<i64: 2, 128>}, {pipeline_mode = #tpu.pipeline_mode<synchronous>, transform_indices = @transform_7, window_bounds = array<i64: 128, 128>}, {pipeline_mode = #tpu.pipeline_mode<synchronous>, transform_indices = @transform_8, window_bounds = array<i64: 1, 128>}, {pipeline_mode = #tpu.pipeline_mode<synchronous>, transform_indices = @transform_9, window_bounds = array<i64: 1, 128>}, {transform_indices = @transform_10, window_bounds = array<i64: 400, 128>}]} {
    %get3A = arith.constant 0 : index
    %get3A_0 = arith.constant 0 : index
    %get3A_1 = arith.constant 0 : index
    %get3A_2 = vector.load %arg2[%get3A, %get3A_0, %get3A_1] : memref<2x400x1xf32, #tpu.memory_space<vmem>>, vector<1x400x1xf32>
    %get3A_3 = vector.shape_cast %get3A_2 : vector<1x400x1xf32> to vector<400x1xf32>
    %get3A_4 = arith.constant 1 : index
    %get3A_5 = arith.constant 0 : index
    %get3A_6 = arith.constant 0 : index
    %get3A_7 = vector.load %arg2[%get3A_4, %get3A_5, %get3A_6] : memref<2x400x1xf32, #tpu.memory_space<vmem>>, vector<1x400x1xf32>
    %get3A_8 = vector.shape_cast %get3A_7 : vector<1x400x1xf32> to vector<400x1xf32>
    %add3A = arith.addf %get3A_3, %get3A_8 : vector<400x1xf32>
    %jit3A = arith.constant 1.000000e+00 : f32
    %max3A = vector.broadcast %jit3A : f32 to vector<400x1xf32>
    %max3A_9 = arith.maximumf %max3A, %add3A : vector<400x1xf32>
    %get3A_10 = arith.constant 0 : index
    %get3A_11 = arith.constant 0 : index
    %get3A_12 = arith.constant 0 : index
    %get3A_13 = vector.load %arg1[%get3A_10, %get3A_11, %get3A_12] : memref<2x400x128xf32, #tpu.memory_space<vmem>>, vector<1x400x128xf32>
    %get3A_14 = vector.shape_cast %get3A_13 : vector<1x400x128xf32> to vector<400x128xf32>
    %get3A_15 = arith.constant 1 : index
    %get3A_16 = arith.constant 0 : index
    %get3A_17 = arith.constant 0 : index
    %get3A_18 = vector.load %arg1[%get3A_15, %get3A_16, %get3A_17] : memref<2x400x128xf32, #tpu.memory_space<vmem>>, vector<1x400x128xf32>
    %get3A_19 = vector.shape_cast %get3A_18 : vector<1x400x128xf32> to vector<400x128xf32>
    %add3A_20 = arith.addf %get3A_14, %get3A_19 : vector<400x128xf32>
    %div3A = vector.broadcast %max3A_9 : vector<400x1xf32> to vector<400x128xf32>
    %div3A_21 = arith.divf %add3A_20, %div3A : vector<400x128xf32>
    %get3A_22 = arith.constant 0 : index
    %get3A_23 = arith.constant 0 : index
    %get3A_24 = vector.load %arg3[%get3A_22, %get3A_23] : memref<400x128xf32, #tpu.memory_space<vmem>>, vector<400x128xf32>
    %get3A_25 = arith.constant 0 : index
    %get3A_26 = arith.constant 0 : index
    %get3A_27 = arith.constant 0 : index
    %get3A_28 = vector.load %arg5[%get3A_25, %get3A_26, %get3A_27] : memref<2x256x128xf32, #tpu.memory_space<vmem>>, vector<1x128x128xf32>
    %get3A_29 = vector.shape_cast %get3A_28 : vector<1x128x128xf32> to vector<128x128xf32>
    %dot_general3A = arith.constant dense<0.000000e+00> : vector<400x128xf32>
    %dot_general3A_30 = tpu.matmul %get3A_24, %get3A_29, %dot_general3A {dimension_numbers = #tpu.dot_dimension_numbers<[1], [0], [0], [1], [0, 0, 1, 1], [], []>, transpose_lhs_hint = false} : vector<400x128xf32>, vector<128x128xf32>, vector<400x128xf32> -> vector<400x128xf32>
    %get3A_31 = arith.constant 0 : index
    %get3A_32 = arith.constant 128 : index
    %get3A_33 = arith.constant 0 : index
    %get3A_34 = vector.load %arg5[%get3A_31, %get3A_32, %get3A_33] : memref<2x256x128xf32, #tpu.memory_space<vmem>>, vector<1x128x128xf32>
    %get3A_35 = vector.shape_cast %get3A_34 : vector<1x128x128xf32> to vector<128x128xf32>
    %dot_general3A_36 = arith.constant dense<0.000000e+00> : vector<400x128xf32>
    %dot_general3A_37 = tpu.matmul %div3A_21, %get3A_35, %dot_general3A_36 {dimension_numbers = #tpu.dot_dimension_numbers<[1], [0], [0], [1], [0, 0, 1, 1], [], []>, transpose_lhs_hint = false} : vector<400x128xf32>, vector<128x128xf32>, vector<400x128xf32> -> vector<400x128xf32>
    %add3A_38 = arith.addf %dot_general3A_30, %dot_general3A_37 : vector<400x128xf32>
    %get3A_39 = arith.constant 0 : index
    %get3A_40 = arith.constant 0 : index
    %get3A_41 = vector.load %arg6[%get3A_39, %get3A_40] : memref<2x128xf32, #tpu.memory_space<vmem>>, vector<1x128xf32>
    %get3A_42 = vector.shape_cast %get3A_41 : vector<1x128xf32> to vector<128xf32>
    %broadcast_in_dim3A = vector.shape_cast %get3A_42 : vector<128xf32> to vector<1x128xf32>
    %add3A_43 = vector.broadcast %broadcast_in_dim3A : vector<1x128xf32> to vector<400x128xf32>
    %add3A_44 = arith.addf %add3A_38, %add3A_43 : vector<400x128xf32>
    %get3A_45 = arith.constant 0 : index
    %get3A_46 = arith.constant 0 : index
    %get3A_47 = vector.load %arg7[%get3A_45, %get3A_46] : memref<2x128xf32, #tpu.memory_space<vmem>>, vector<1x128xf32>
    %get3A_48 = vector.shape_cast %get3A_47 : vector<1x128xf32> to vector<128xf32>
    %broadcast_in_dim3A_49 = vector.shape_cast %get3A_48 : vector<128xf32> to vector<1x128xf32>
    %max3A_50 = arith.constant 0.000000e+00 : f32
    %max3A_51 = vector.broadcast %max3A_50 : f32 to vector<400x128xf32>
    %max3A_52 = arith.maximumf %add3A_44, %max3A_51 : vector<400x128xf32>
    %min3A = arith.constant 0.000000e+00 : f32
    %min3A_53 = vector.broadcast %min3A : f32 to vector<400x128xf32>
    %min3A_54 = arith.minimumf %add3A_44, %min3A_53 : vector<400x128xf32>
    %mul3A = vector.broadcast %broadcast_in_dim3A_49 : vector<1x128xf32> to vector<400x128xf32>
    %mul3A_55 = arith.mulf %mul3A, %min3A_54 : vector<400x128xf32>
    %add3A_56 = arith.addf %max3A_52, %mul3A_55 : vector<400x128xf32>
    %get3A_57 = arith.constant 1 : index
    %get3A_58 = arith.constant 0 : index
    %get3A_59 = arith.constant 0 : index
    %get3A_60 = vector.load %arg5[%get3A_57, %get3A_58, %get3A_59] : memref<2x256x128xf32, #tpu.memory_space<vmem>>, vector<1x128x128xf32>
    %get3A_61 = vector.shape_cast %get3A_60 : vector<1x128x128xf32> to vector<128x128xf32>
    %dot_general3A_62 = arith.constant dense<0.000000e+00> : vector<400x128xf32>
    %dot_general3A_63 = tpu.matmul %get3A_24, %get3A_61, %dot_general3A_62 {dimension_numbers = #tpu.dot_dimension_numbers<[1], [0], [0], [1], [0, 0, 1, 1], [], []>, transpose_lhs_hint = false} : vector<400x128xf32>, vector<128x128xf32>, vector<400x128xf32> -> vector<400x128xf32>
    %get3A_64 = arith.constant 1 : index
    %get3A_65 = arith.constant 128 : index
    %get3A_66 = arith.constant 0 : index
    %get3A_67 = vector.load %arg5[%get3A_64, %get3A_65, %get3A_66] : memref<2x256x128xf32, #tpu.memory_space<vmem>>, vector<1x128x128xf32>
    %get3A_68 = vector.shape_cast %get3A_67 : vector<1x128x128xf32> to vector<128x128xf32>
    %dot_general3A_69 = arith.constant dense<0.000000e+00> : vector<400x128xf32>
    %dot_general3A_70 = tpu.matmul %add3A_56, %get3A_68, %dot_general3A_69 {dimension_numbers = #tpu.dot_dimension_numbers<[1], [0], [0], [1], [0, 0, 1, 1], [], []>, transpose_lhs_hint = false} : vector<400x128xf32>, vector<128x128xf32>, vector<400x128xf32> -> vector<400x128xf32>
    %add3A_71 = arith.addf %dot_general3A_63, %dot_general3A_70 : vector<400x128xf32>
    %get3A_72 = arith.constant 1 : index
    %get3A_73 = arith.constant 0 : index
    %get3A_74 = vector.load %arg6[%get3A_72, %get3A_73] : memref<2x128xf32, #tpu.memory_space<vmem>>, vector<1x128xf32>
    %get3A_75 = vector.shape_cast %get3A_74 : vector<1x128xf32> to vector<128xf32>
    %broadcast_in_dim3A_76 = vector.shape_cast %get3A_75 : vector<128xf32> to vector<1x128xf32>
    %add3A_77 = vector.broadcast %broadcast_in_dim3A_76 : vector<1x128xf32> to vector<400x128xf32>
    %add3A_78 = arith.addf %add3A_71, %add3A_77 : vector<400x128xf32>
    %get3A_79 = arith.constant 1 : index
    %get3A_80 = arith.constant 0 : index
    %get3A_81 = vector.load %arg7[%get3A_79, %get3A_80] : memref<2x128xf32, #tpu.memory_space<vmem>>, vector<1x128xf32>
    %get3A_82 = vector.shape_cast %get3A_81 : vector<1x128xf32> to vector<128xf32>
    %broadcast_in_dim3A_83 = vector.shape_cast %get3A_82 : vector<128xf32> to vector<1x128xf32>
    %max3A_84 = arith.constant 0.000000e+00 : f32
    %max3A_85 = vector.broadcast %max3A_84 : f32 to vector<400x128xf32>
    %max3A_86 = arith.maximumf %add3A_78, %max3A_85 : vector<400x128xf32>
    %min3A_87 = arith.constant 0.000000e+00 : f32
    %min3A_88 = vector.broadcast %min3A_87 : f32 to vector<400x128xf32>
    %min3A_89 = arith.minimumf %add3A_78, %min3A_88 : vector<400x128xf32>
    %mul3A_90 = vector.broadcast %broadcast_in_dim3A_83 : vector<1x128xf32> to vector<400x128xf32>
    %mul3A_91 = arith.mulf %mul3A_90, %min3A_89 : vector<400x128xf32>
    %add3A_92 = arith.addf %max3A_86, %mul3A_91 : vector<400x128xf32>
    %get3A_93 = arith.constant 0 : index
    %get3A_94 = arith.constant 0 : index
    %get3A_95 = vector.load %arg4[%get3A_93, %get3A_94] : memref<400x128xf32, #tpu.memory_space<vmem>>, vector<400x128xf32>
    %get3A_96 = arith.constant 0 : index
    %get3A_97 = arith.constant 0 : index
    %get3A_98 = vector.load %arg8[%get3A_96, %get3A_97] : memref<128x128xf32, #tpu.memory_space<vmem>>, vector<128x128xf32>
    %dot_general3A_99 = arith.constant dense<0.000000e+00> : vector<400x128xf32>
    %dot_general3A_100 = tpu.matmul %get3A_95, %get3A_98, %dot_general3A_99 {dimension_numbers = #tpu.dot_dimension_numbers<[1], [0], [0], [1], [0, 0, 1, 1], [], []>, transpose_lhs_hint = false} : vector<400x128xf32>, vector<128x128xf32>, vector<400x128xf32> -> vector<400x128xf32>
    %get3A_101 = arith.constant 0 : index
    %get3A_102 = arith.constant 0 : index
    %get3A_103 = vector.load %arg9[%get3A_101, %get3A_102] : memref<1x128xf32, #tpu.memory_space<vmem>>, vector<1x128xf32>
    %add3A_104 = vector.broadcast %get3A_103 : vector<1x128xf32> to vector<400x128xf32>
    %add3A_105 = arith.addf %dot_general3A_100, %add3A_104 : vector<400x128xf32>
    %get3A_106 = arith.constant 0 : index
    %get3A_107 = arith.constant 0 : index
    %get3A_108 = vector.load %arg10[%get3A_106, %get3A_107] : memref<1x128xf32, #tpu.memory_space<vmem>>, vector<1x128xf32>
    %max3A_109 = arith.constant 0.000000e+00 : f32
    %max3A_110 = vector.broadcast %max3A_109 : f32 to vector<400x128xf32>
    %max3A_111 = arith.maximumf %add3A_105, %max3A_110 : vector<400x128xf32>
    %min3A_112 = arith.constant 0.000000e+00 : f32
    %min3A_113 = vector.broadcast %min3A_112 : f32 to vector<400x128xf32>
    %min3A_114 = arith.minimumf %add3A_105, %min3A_113 : vector<400x128xf32>
    %mul3A_115 = vector.broadcast %get3A_108 : vector<1x128xf32> to vector<400x128xf32>
    %mul3A_116 = arith.mulf %mul3A_115, %min3A_114 : vector<400x128xf32>
    %add3A_117 = arith.addf %max3A_111, %mul3A_116 : vector<400x128xf32>
    %add3A_118 = arith.addf %add3A_92, %add3A_117 : vector<400x128xf32>
    %swap3A = arith.constant 0 : index
    %swap3A_119 = arith.constant 0 : index
    %swap3A_120 = vector.load %arg11[%swap3A, %swap3A_119] : memref<400x128xf32, #tpu.memory_space<vmem>>, vector<400x128xf32>
    tpu.vector_store %arg11[%swap3A, %swap3A_119], %add3A_118 {strides = array<i32>} : memref<400x128xf32, #tpu.memory_space<vmem>>, vector<400x128xf32>,
    return
  }
  func.func @transform_0(%arg0: i32) -> (i32, i32, i32) {
    %c0_i32 = arith.constant 0 : i32
    %c0_i32_0 = arith.constant 0 : i32
    %c0_i32_1 = arith.constant 0 : i32
    return %c0_i32, %arg0, %c0_i32_0 : i32, i32, i32
  }
  func.func @transform_1(%arg0: i32) -> (i32, i32, i32) {
    %c0_i32 = arith.constant 0 : i32
    %c0_i32_0 = arith.constant 0 : i32
    %c0_i32_1 = arith.constant 0 : i32
    return %c0_i32, %arg0, %c0_i32_0 : i32, i32, i32
  }
  func.func @transform_2(%arg0: i32) -> (i32, i32) {
    %c0_i32 = arith.constant 0 : i32
    %c0_i32_0 = arith.constant 0 : i32
    return %arg0, %c0_i32 : i32, i32
  }
  func.func @transform_3(%arg0: i32) -> (i32, i32) {
    %c0_i32 = arith.constant 0 : i32
    %c0_i32_0 = arith.constant 0 : i32
    return %arg0, %c0_i32 : i32, i32
  }
  func.func @transform_4(%arg0: i32) -> (i32, i32, i32) {
    %c0_i32 = arith.constant 0 : i32
    %c0_i32_0 = arith.constant 0 : i32
    %c0_i32_1 = arith.constant 0 : i32
    %c0_i32_2 = arith.constant 0 : i32
    return %c0_i32, %c0_i32_0, %c0_i32_1 : i32, i32, i32
  }
  func.func @transform_5(%arg0: i32) -> (i32, i32) {
    %c0_i32 = arith.constant 0 : i32
    %c0_i32_0 = arith.constant 0 : i32
    %c0_i32_1 = arith.constant 0 : i32
    return %c0_i32, %c0_i32_0 : i32, i32
  }
  func.func @transform_6(%arg0: i32) -> (i32, i32) {
    %c0_i32 = arith.constant 0 : i32
    %c0_i32_0 = arith.constant 0 : i32
    %c0_i32_1 = arith.constant 0 : i32
    return %c0_i32, %c0_i32_0 : i32, i32
  }
  func.func @transform_7(%arg0: i32) -> (i32, i32) {
    %c0_i32 = arith.constant 0 : i32
    %c0_i32_0 = arith.constant 0 : i32
    %c0_i32_1 = arith.constant 0 : i32
    return %c0_i32, %c0_i32_0 : i32, i32
  }
  func.func @transform_8(%arg0: i32) -> (i32, i32) {
    %c0_i32 = arith.constant 0 : i32
    %c0_i32_0 = arith.constant 0 : i32
    %c0_i32_1 = arith.constant 0 : i32
    return %c0_i32, %c0_i32_0 : i32, i32
  }
  func.func @transform_9(%arg0: i32) -> (i32, i32) {
    %c0_i32 = arith.constant 0 : i32
    %c0_i32_0 = arith.constant 0 : i32
    %c0_i32_1 = arith.constant 0 : i32
    return %c0_i32, %c0_i32_0 : i32, i32
  }
  func.func @transform_10(%arg0: i32) -> (i32, i32) {
    %c0_i32 = arith.constant 0 : i32
    %c0_i32_0 = arith.constant 0 : i32
    return %arg0, %c0_i32 : i32, i32
  }
}

</mosaic_0001>

<sc_bundles>
// kernel: kernel.6.cloned.1.call-start
scs
__scs_entry_jumppad:
0x0: {  	(pc) =	sbr.rel $0x88, $3  }
0x1: {  	(tag) =	ssettag $0x0;
	lr =	simm.s32 $0x1  }
0x2: {  	[smem:$0x3F98] =	sst lr;
	_ =	strace $0xD0000000  }
0x3: {  	_ = 	snop  }
0x4: {  	_ = 	snop  }
0x5: {  	_ = 	snop  }
0x6: {  	_ = 	snop  }
0x7: {  	_ = 	snop  }
__scs_overlays_trampoline_lowered:
0x8: {  	[smem:$0x3FA7] =	sst s0  }
0x9: {  	[smem:$0x3FA8] =	sst s1  }
0xa: {  	[smem:$0x3FA9] =	sst s2  }
0xb: {  	[smem:$0x3FAA] =	sst s3  }
0xc: {  	[smem:$0x3FAB] =	sst s4  }
0xd: {  	[smem:$0x3FAC] =	sst s5  }
0xe: {  	[smem:$0x3FAD] =	sst s6  }
0xf: {  	[smem:$0x3FAE] =	sst s7  }
0x10: {  	[smem:$0x3FAF] =	sst s8  }
0x11: {  	[smem:$0x3FB0] =	sst s9;
	s0 =	simm.s32 @!p0 $0x0  }
0x12: {  	s1 =	sld [smem:$0x3F96];
	s0 =	simm.s32 @p0 $0x1  }
0x13: {  	[smem:$0x3FB1] =	sst s0;
	s0 =	simm.s32 @!p1 $0x0  }
0x14: {  	s2 =	sld [smem:$0x3F95];
	s0 =	simm.s32 @p1 $0x1  }
0x15: {  	[smem:$0x3FB2] =	sst s0;
	s0 =	simm.s32 @!p2 $0x0  }
0x16: {  	s3 =	sld [smem:$0x3FDB];
	s0 =	simm.s32 @p2 $0x1  }
0x17: {  	s4 =	simm.s32 $0x1BF5;
	[smem:$0x3FB4] =	sst s0  }
0x18: {  	s0 =	sld [smem:$0x3F97];
	_ =	swait.ge [sflag:s4], $0x0  }
0x19: {  	s7 =	sld [smem:$0x3F98]  }
0x1a: {  	s8 =	sadd.s32 $0xFFFFE003, lr  }
0x1b: {  	s9 =	sadd.s32 $0xFFFFFEF7, lr;
	s5 =	simm.s32 $0xFFFFFFFF;
	p2 =	slt.u32 s8, $0xFFFFF086  }
0x1c: {  	p1 =	slt.u32 s9, $0xF7A;
	s5 =	simm.s32 @!p2 $0x0  }
0x1d: {  	s5 =	simm.s32 @p1 $0x1;
	p0 =	seq.s32 s7, s2  }
0x1e: {  	s7 =	smul.u32 @!p0 $0xF7A, s2;
	p2 =	seq.s32 @!p0 s5, $0x0  }
0x1f: {  	s9 =	smul.u32 $0xF7A, s1;
	s8 =	simm.s32 @!p0 $0x1BF5;
	p2 =	por !p2, p0  }
0x20: {  	[sflag:s8] =	ssyncset.s32 @!p0 $0xFFFFF086;
	s6 =	sadd.s32 @!p0 s3, s7;
	s7 =	simm.s32 @!p0 $0x108  }
0x21: {  	s3 =	sadd.s32 s3, s9;
	s6 =	sadd.s32 @!p0 $0x88, s6;
	s7 =	simm.s32 @p2 $0x1082  }
0x22: {  	[simem:s7], [sflag:s8] =	dma.local @!p0 [hbm:s6], $0xF7A  }
0x23: {  	s9 =	sor.u32 $0xD0000000, s2;
	s6 =	simm.s32 $0x108;
	_ =	swait.ge @!p0 [sflag:s8], $0x0  }
0x24: {  	s3 =	sadd.s32 $0x88, s3;
	s6 =	simm.s32 @!p1 $0x1082;
	[sflag:s4] =	ssyncset.s32 $0xFFFFF086  }
0x25: {  	[simem:s6], [sflag:s4] =	dma.local [hbm:s3], $0xF7A  }
0x26: {  	[smem:$0x3F98] =	sst s1;
	(tag) =	ssettag s2;
	_ =	strace s9  }
0x27: {  	s1 =	sld [smem:$0x3FA8]  }
0x28: {  	s2 =	sld [smem:$0x3FA9]  }
0x29: {  	s4 =	sld [smem:$0x3FAB]  }
0x2a: {  	p0 =	seq.s32 s5, $0x0;
	s5 =	sld [smem:$0x3FAC]  }
0x2b: {  	s6 =	sld [smem:$0x3FAD]  }
0x2c: {  	s7 =	sld [smem:$0x3FAE]  }
0x2d: {  	s3 =	simm.s32 $0x108;
	s8 =	sld [smem:$0x3FAF]  }
0x2e: {  	s3 =	simm.s32 @!p0 $0x1082;
	s9 =	sld [smem:$0x3FB0]  }
0x2f: {  	lr =	sadd.s32 s0, s3;
	s0 =	sld [smem:$0x3FA7]  }
0x30: {  	s3 =	sld [smem:$0x3FAA]  }
0x31: {  	[smem:$0x3FB3] =	sst s10  }
0x32: {  	s10 =	sld [smem:$0x3FB1];
	_ =	sdelay $0x3  }
0x33: {  	p0 =	seq.s32 s10, $0x1;
	s10 =	sld [smem:$0x3FB3];
	_ =	sdelay $0x3  }
0x34: {  	[smem:$0x3FB3] =	sst s10  }
0x35: {  	s10 =	sld [smem:$0x3FB2];
	_ =	sdelay $0x3  }
0x36: {  	p1 =	seq.s32 s10, $0x1;
	s10 =	sld [smem:$0x3FB3];
	_ =	sdelay $0x3  }
0x37: {  	[smem:$0x3FB3] =	sst s10  }
0x38: {  	s10 =	sld [smem:$0x3FB4]  }
0x39: {  	_ = 	snop;
	(pc) =	sbr.ind lr, $3  }
0x3a: {  	_ = 	snop  }
0x3b: {  	_ = 	snop  }
0x3c: {  	p2 =	seq.s32 s10, $0x1;
	s10 =	sld [smem:$0x3FB3]  }
0x3d: {  	_ =	shalt  }
0x3e: {  	_ =	shalt  }
0x3f: {  	_ =	shalt  }
0x40: {  	_ =	shalt  }
0x41: {  	_ =	shalt  }
0x42: {  	_ =	shalt  }
0x43: {  	_ =	shalt  }
0x44: {  	_ =	shalt  }
0x45: {  	_ =	shalt  }
0x46: {  	_ =	shalt  }
0x47: {  	_ =	shalt  }
0x48: {  	_ =	shalt  }
0x49: {  	_ =	shalt  }
0x4a: {  	_ =	shalt  }
0x4b: {  	_ =	shalt  }
0x4c: {  	_ =	shalt  }
0x4d: {  	_ =	shalt  }
0x4e: {  	_ =	shalt  }
0x4f: {  	_ =	shalt  }
0x50: {  	_ =	shalt  }
0x51: {  	_ =	shalt  }
0x52: {  	_ =	shalt  }
0x53: {  	_ =	shalt  }
0x54: {  	_ =	shalt  }
0x55: {  	_ =	shalt  }
0x56: {  	_ =	shalt  }
0x57: {  	_ =	shalt  }
0x58: {  	_ =	shalt  }
0x59: {  	_ =	shalt  }
0x5a: {  	_ =	shalt  }
0x5b: {  	_ =	shalt  }
0x5c: {  	_ =	shalt  }
0x5d: {  	_ =	shalt  }
0x5e: {  	_ =	shalt  }
0x5f: {  	_ =	shalt  }
0x60: {  	_ =	shalt  }
0x61: {  	_ =	shalt  }
0x62: {  	_ =	shalt  }
0x63: {  	_ =	shalt  }
0x64: {  	_ =	shalt  }
0x65: {  	_ =	shalt  }
0x66: {  	_ =	shalt  }
0x67: {  	_ =	shalt  }
0x68: {  	_ =	shalt  }
0x69: {  	_ =	shalt  }
0x6a: {  	_ =	shalt  }
0x6b: {  	_ =	shalt  }
0x6c: {  	_ =	shalt  }
0x6d: {  	_ =	shalt  }
0x6e: {  	_ =	shalt  }
0x6f: {  	_ =	shalt  }
0x70: {  	_ =	shalt  }
0x71: {  	_ =	shalt  }
0x72: {  	_ =	shalt  }
0x73: {  	_ =	shalt  }
0x74: {  	_ =	shalt  }
0x75: {  	_ =	shalt  }
0x76: {  	_ =	shalt  }
0x77: {  	_ =	shalt  }
0x78: {  	_ =	shalt  }
0x79: {  	_ =	shalt  }
0x7a: {  	_ =	shalt  }
0x7b: {  	_ =	shalt  }
0x7c: {  	_ =	shalt  }
0x7d: {  	_ =	shalt  }
0x7e: {  	_ =	shalt  }
0x7f: {  	_ =	shalt  }
0x80: {  	_ =	shalt  }
0x81: {  	_ =	shalt  }
0x82: {  	_ =	shalt  }
0x83: {  	_ =	shalt  }
0x84: {  	_ =	shalt  }
0x85: {  	_ =	shalt  }
0x86: {  	_ =	shalt  }
0x87: {  	_ =	shalt  }
.Lfunc_end0:
.L_simem_size_0:
called_computation_lowered:
.L_overlay_start_0:
0x88: {  	s2 =	sld [smem:$0x3FD9]  }
0x89: {  	s3 =	sld [smem:$0x3FFE];
	_ =	sdelay $0x1  }
0x8a: {  	s1 =	srdreg.scid  }
0x8b: {  	s0 =	sand.u32 $0x1, s1  }
0x8c: {  	s17 =	sshll.u32 s0, $0xA;
	s2 =	sadd.s32 s3, s2  }
0x8d: {  	s2 =	sadd.s32 s2, s17  }
0x8e: {  	[smem:$0x3FBF] =	sst s2  }
0x8f: {  	_ = 	snop  }
0x90: {  	s2 =	sld [smem:$0x3FC8]  }
0x91: {  	s18 =	sld [smem:$0x3FD0];
	(tm) =	ssettm $0x1  }
0x92: {  	s4 =	sld [smem:$0x3FFB];
	_ =	sdelay $0x3  }
0x93: {  	_ =	strace s4  }
0x94: {  	s4 =	sld [smem:$0x3FFC];
	_ =	sdelay $0x3  }
0x95: {  	_ =	strace s4  }
0x96: {  	s4 =	sld [smem:$0x3FFD];
	_ =	sdelay $0x3  }
0x97: {  	_ =	strace s4  }
0x98: {  	_ =	strace $0x8FFFFFFF  }
0x99: {  	s19 =	sld [smem:$0x3FDB];
	_ =	sdelay $0x1  }
0x9a: {  	s5 =	simm.s32 $_scs_section_size  }
0x9b: {  	s6 =	simm.s32 $_size__tile_overlayer_lowered;
	s7 =	simm.s32 $_tile_overlayer_lowered  }
0x9c: {  	s22 =	simm.s32 $0x1BFF;
	s21 =	sshll.u32 s7, $0x1;
	s4 =	sadd.s32 s5, s19  }
0x9d: {  	s8 =	simm.s32 $0x0;
	s20 =	sshll.u32 s6, $0x1;
	s6 =	sadd.s32 s21, s4  }
0x9e: {  	[timem:s8], [sflag:s22] =	dma.local [hbm:s6], s20  }
0x9f: {  	_ =	swait.ge [sflag:s22], s20  }
0xa0: {  	s5 =	ssub.s32 $0x0, s20;
	[sflag:s22] =	ssyncset.done $0x0  }
0xa1: {  	[sflag:s22] =	ssyncadd.s32 s5;
	_ =	sdelay $0x1  }
0xa2: {  	s23 =	simm.s32 $0x1B8B  }
0xa3: {  	_ =	swait.ge [sflag:s23], $0x1  }
0xa4: {  	[sflag:s23] =	ssyncset.done $0x0  }
0xa5: {  	s25 =	simm.s32 $0x1B8E;
	s24 =	sld [smem:$0x3FFE];
	[sflag:s23] =	ssyncadd.s32 $0xFFFFFFFF  }
0xa6: {  	s26 =	simm.s32 $execute0_lowered;
	[smem:$0x3FD2] =	sst s25  }
0xa7: {  	s6 =	sshll.u32 s26, $0x1;
	_ =	strace $0x80000046;
	[dreg:$0x1] =	wrdreg $0xFFFFFFFF  }
0xa8: {  	s28 =	simm.s32 $_size_execute0_lowered;
	s4 =	sadd.s32 s4, s6;
	[dreg:$0x0] =	wrdreg $0x0  }
0xa9: {  	s6 =	sshll.u32 s28, $0x1;
	[dreg:$0x2] =	wrdreg s4  }
0xaa: {  	[dreg:$0x3] =	wrdreg s6  }
0xab: {  	[dreg:$0x4] =	wrdreg $0xC0  }
0xac: {  	_ =	task [dreg:s8], $0x5FFFF  }
0xad: {  	[dreg:$0x1] =	wrdreg $0xFFFFFFFF  }
0xae: {  	[dreg:$0x0] =	wrdreg $0x60  }
0xaf: {  	[dreg:$0x2] =	wrdreg s2  }
0xb0: {  	[dreg:$0x3] =	wrdreg s18  }
0xb1: {  	[dreg:$0x4] =	wrdreg s24  }
0xb2: {  	[dreg:$0x5] =	wrdreg $0x0  }
0xb3: {  	[dreg:$0x6] =	wrdreg $0x169000  }
0xb4: {  	[dreg:$0x7] =	wrdreg $0x9  }
0xb5: {  	_ =	task.clear_ibuf [dreg:s8], $0x8FFFF;
	_ =	strace $0x90000046  }
0xb6: {  	s29 =	simm.s32 $0x9;
	_ =	strace $0x80000048  }
0xb7: {  	_ =	swait.ge [sflag:s29], $0x1  }
0xb8: {  	[sflag:s29] =	ssyncadd.s32 $0xFFFFFFFF  }
0xb9: {  	_ =	strace $0x90000048  }
0xba: {  	_ =	sfence  }
0xbb: {  	s30 =	sld [smem:$0x0];
	_ =	sdelay $0x2  }
0xbc: {  	s31 =	sshll.u32 s1, $0xD;
	s1 =	sshrl.u32 s1, $0x2  }
0xbd: {  	s3 =	sand.u32 $0x4000, s31;
	s1 =	sadd.s32 s1, s30  }
0xbe: {  	s0 =	sor.u32 s3, s0;
	s1 =	sshll.u32 s1, $0x11  }
0xbf: {  	s0 =	sor.u32 s1, s0  }
0xc0: {  	s0 =	sadd.s32 $0x8F2B, s0  }
0xc1: {  	[sflag:s0] =	ssyncadd.remote.s32 $0x1  }
0xc2: {  	_ =	sfence.sel $0xFFFF  }
0xc3: {  	[dreg:$0x0] =	wrdreg $0xFFFFFFFF;
	(pc) =	sbr.abs _section_cstart, $3  }
0xc4: {  	[dreg:$0x1] =	wrdreg $0xFFFFFFFF  }
0xc5: {  	_ =	task.clear_ibuf [dreg:s8], $0x2FFFF;
	_ =	strace $0x9FFFFFFF  }
0xc6: {  	(tm) =	ssettm $0x7FFFFFFF  }
0xc7: {  	_ =	shalt  }
tec
execute0_lowered:
.L_overlay_start_1:
0x0: {  	(tag) =	ssettag $0x1  }
0x1: {  	s1 =	rddreg [dreg:$0x0]  }
0x2: {  	s0 =	rddreg [dreg:$0x1]  }
0x3: {  	s6 =	rddreg [dreg:$0x2]  }
0x4: {  	s2 =	rddreg [dreg:$0x3]  }
0x5: {  	s3 =	rddreg [dreg:$0x4]  }
0x6: {  	s4 =	srdreg.scid;
	s23 =	stileid.u32  }
0x7: {  	s5 =	simm.s32 $0x0;
	s21 =	simm.s32 $0x2;
	s9 =	smul.u32 $0x14000, s23  }
0x8: {  	s28 =	simm.s32 $0x16B80;
	s31 =	simm.s32 $0x0;
	s24 =	smul.u32 $0x500, s23  }
0x9: {  	s7 =	sand.u32 $0x1, s4;
	[smem:$0x7FF] =	sst s5;
	s11 =	smul.u32 $0x50000, s23  }
0xa: {  	s13 =	smul.u32 $0xA00, s23;
	s20 =	sshll.u32 s23, $0xB;
	s23 =	simm.s32 $0x14000  }
0xb: {  	s8 =	smul.u32 $0x140000, s7;
	_ =	strace $0x80000047;
	s17 =	sshll.u32 s7, $0xF  }
0xc: {  	s10 =	sshll.u32 s7, $0x7;
	s7 =	ssub.s32 $0x2, s7;
	s19 =	sadd.s32 s17, s6  }
0xd: {  	s25 =	sor.u32 s10, s24;
	s26 =	sshrl.u32 s11, $0x2;
	s29 =	sshrl.u32 s7, $0x1  }
0xe: {  	s14 =	sshrl.u32 s13, $0x2;
	s0 =	sadd.s32 s17, s0;
	s24 =	simm.s32 $0x14080  }
0xf: {  	s8 =	sadd.s32 s9, s8;
	s18 =	ssub.s32 s7, s29;
	s14 =	sadd.s32 s14, s3  }
0x10: {  	s30 =	sadd.s32 s20, s19;
	s8 =	sshrl.u32 s8, $0x3;
	s17 =	smax.u32 s18, $0x1  }
0x11: {  	s18 =	sadd.s32 s20, s0;
	s19 =	sadd.s32 $0x2400, s30;
	s20 =	simm.s32 $0x14100  }
0x12: {  	s15 =	sadd.s32 s8, s6;
	s8 =	sshrl.u32 s25, $0x3;
	s25 =	simm.s32 $0x50  }
0x13: {  	s16 =	sadd.s32 s8, s6;
	s6 =	sadd.s32 s26, s2;
	s15 =	sadd.s32 $0x12E00, s15  }
0x14: {  	s26 =	simm.s32 $0x1;
	s7 =	sadd.s32 $0x2800, s6;
	s8 =	sadd.s32 $0x5000, s6  }
0x15: {  	s9 =	sadd.s32 $0x7800, s6;
	s10 =	sadd.s32 $0xA000, s6;
	s11 =	sadd.s32 $0xC800, s6  }
0x16: {  	v0 =	vimm.f32 $0.0e+00;
	v1 =	vimm.f32 $1.000000000e+00;
	s12 =	sadd.s32 $0xF000, s6;
	s13 =	sadd.s32 $0x11800, s6;
	s16 =	sadd.s32 $0x12400, s16  }
.LBB2_1:
0x17: {  	s0 =	simm.s32 $0x70;
	s22 =	simm.s32 $0x3C0  }
.LBB2_2:
0x18: {  	p0 =	sne.s32 s22, $0x9FC0;
	[tilespmem:s0+$0x14100] =	vst v0  }
0x19: {  	[tilespmem:s0+$0x14090] =	vst v0  }
0x1a: {  	[tilespmem:s0+$0x140A0] =	vst v0  }
.Ltmp0:
0x1b: {  	[tilespmem:s0+$0x140B0] =	vst v0;
	(pc) =	sbr.rel @p0 .LBB2_2-.Ltmp0, $4  }
0x1c: {  	[tilespmem:s0+$0x140C0] =	vst v0  }
0x1d: {  	[tilespmem:s0+$0x140D0] =	vst v0  }
0x1e: {  	[tilespmem:s0+$0x140E0] =	vst v0  }
0x1f: {  	[tilespmem:s0+$0x140F0] =	vst v0;
	s0 =	sshra.s32 s22, $0x2;
	s22 =	sadd.s32 $0x200, s22  }
0x20: {  	[tilespmem:s0+$0x14100] =	vst v0  }
0x21: {  	[tilespmem:s0+$0x14090] =	vst v0  }
0x22: {  	[tilespmem:s0+$0x140A0] =	vst v0  }
0x23: {  	[tilespmem:s0+$0x140B0] =	vst v0  }
0x24: {  	[tilespmem:s0+$0x140C0] =	vst v0  }
0x25: {  	[tilespmem:s0+$0x140D0] =	vst v0  }
0x26: {  	[tilespmem:s0+$0x140E0] =	vst v0  }
0x27: {  	[tilespmem:s0+$0x140F0] =	vst v0  }
0x28: {  	[spmem:s6] =	stream.linear.scatter [tilespmem:s20], [sflag:$0x2], $0x2800, $0x38;
	[tilespmem:$0x16E80] =	vst v63  }
0x29: {  	_ =	swait.ge [sflag:s21], $0x2800  }
0x2a: {  	[sflag:s21] =	ssyncset.done $0x0  }
0x2b: {  	[sflag:s21] =	ssyncadd.s32 $0xFFFFD800  }
0x2c: {  	[spmem:s7] =	stream.linear.scatter [tilespmem:s20], [sflag:$0x2], $0x2800, $0x38;
	[tilespmem:$0x16E80] =	vst v63  }
0x2d: {  	_ =	swait.ge [sflag:s21], $0x2800  }
0x2e: {  	[sflag:s21] =	ssyncset.done $0x0  }
0x2f: {  	[sflag:s21] =	ssyncadd.s32 $0xFFFFD800  }
0x30: {  	[spmem:s8] =	stream.linear.scatter [tilespmem:s20], [sflag:$0x2], $0x2800, $0x38;
	[tilespmem:$0x16E80] =	vst v63  }
0x31: {  	_ =	swait.ge [sflag:s21], $0x2800  }
0x32: {  	[sflag:s21] =	ssyncset.done $0x0  }
0x33: {  	[sflag:s21] =	ssyncadd.s32 $0xFFFFD800  }
0x34: {  	[spmem:s9] =	stream.linear.scatter [tilespmem:s20], [sflag:$0x2], $0x2800, $0x38;
	[tilespmem:$0x16E80] =	vst v63  }
0x35: {  	_ =	swait.ge [sflag:s21], $0x2800  }
0x36: {  	[sflag:s21] =	ssyncset.done $0x0  }
0x37: {  	[sflag:s21] =	ssyncadd.s32 $0xFFFFD800  }
0x38: {  	[spmem:s10] =	stream.linear.scatter [tilespmem:s20], [sflag:$0x2], $0x2800, $0x38;
	[tilespmem:$0x16E80] =	vst v63  }
0x39: {  	_ =	swait.ge [sflag:s21], $0x2800  }
0x3a: {  	[sflag:s21] =	ssyncset.done $0x0  }
0x3b: {  	[sflag:s21] =	ssyncadd.s32 $0xFFFFD800  }
0x3c: {  	[spmem:s11] =	stream.linear.scatter [tilespmem:s20], [sflag:$0x2], $0x2800, $0x38;
	[tilespmem:$0x16E80] =	vst v63  }
0x3d: {  	_ =	swait.ge [sflag:s21], $0x2800  }
0x3e: {  	[sflag:s21] =	ssyncset.done $0x0  }
0x3f: {  	[sflag:s21] =	ssyncadd.s32 $0xFFFFD800  }
0x40: {  	[spmem:s12] =	stream.linear.scatter [tilespmem:s20], [sflag:$0x2], $0x2800, $0x38;
	[tilespmem:$0x16E80] =	vst v63  }
0x41: {  	_ =	swait.ge [sflag:s21], $0x2800  }
0x42: {  	[sflag:s21] =	ssyncset.done $0x0  }
0x43: {  	[sflag:s21] =	ssyncadd.s32 $0xFFFFD800  }
0x44: {  	[spmem:s13] =	stream.linear.scatter [tilespmem:s20], [sflag:$0x2], $0x2800, $0x38;
	[tilespmem:$0x16E80] =	vst v63  }
0x45: {  	_ =	swait.ge [sflag:s21], $0x2800  }
0x46: {  	[sflag:s21] =	ssyncset.done $0x0  }
0x47: {  	[sflag:s21] =	ssyncadd.s32 $0xFFFFD800  }
0x48: {  	[tilespmem:$0x16B80] =	vst v1  }
0x49: {  	[tilespmem:$0x16B90] =	vst v1  }
0x4a: {  	[tilespmem:$0x16BA0] =	vst v1  }
0x4b: {  	[tilespmem:$0x16BB0] =	vst v1  }
0x4c: {  	[tilespmem:$0x16BC0] =	vst v1  }
0x4d: {  	[tilespmem:$0x16C00] =	vst v0  }
0x4e: {  	[tilespmem:$0x16C10] =	vst v0  }
0x4f: {  	[tilespmem:$0x16C20] =	vst v0  }
0x50: {  	[tilespmem:$0x16C30] =	vst v0  }
0x51: {  	[tilespmem:$0x16C40] =	vst v0  }
0x52: {  	[tilespmem:$0x16C50] =	vst v0  }
0x53: {  	[tilespmem:$0x16C60] =	vst v0  }
0x54: {  	[tilespmem:$0x16C70] =	vst v0  }
0x55: {  	[tilespmem:$0x16C80] =	vst v0  }
0x56: {  	[tilespmem:$0x16C90] =	vst v0  }
0x57: {  	[tilespmem:$0x16CA0] =	vst v0  }
0x58: {  	[tilespmem:$0x16CB0] =	vst v0  }
0x59: {  	[tilespmem:$0x16CC0] =	vst v0  }
0x5a: {  	[tilespmem:$0x16CD0] =	vst v0  }
0x5b: {  	[tilespmem:$0x16CE0] =	vst v0  }
0x5c: {  	[tilespmem:$0x16CF0] =	vst v0  }
0x5d: {  	[tilespmem:$0x16D00] =	vst v0  }
0x5e: {  	[tilespmem:$0x16D10] =	vst v0  }
0x5f: {  	[tilespmem:$0x16D20] =	vst v0  }
0x60: {  	[tilespmem:$0x16D30] =	vst v0  }
0x61: {  	[tilespmem:$0x16D40] =	vst v0  }
0x62: {  	[tilespmem:$0x16D50] =	vst v0  }
0x63: {  	[tilespmem:$0x16D60] =	vst v0  }
0x64: {  	[tilespmem:$0x16D70] =	vst v0  }
0x65: {  	[tilespmem:$0x16D80] =	vst v0  }
0x66: {  	[tilespmem:$0x16D90] =	vst v0  }
0x67: {  	[tilespmem:$0x16DA0] =	vst v0  }
0x68: {  	[tilespmem:$0x16DB0] =	vst v0  }
0x69: {  	[tilespmem:$0x16DC0] =	vst v0  }
0x6a: {  	[tilespmem:$0x16DD0] =	vst v0  }
0x6b: {  	[tilespmem:$0x16DE0] =	vst v0  }
0x6c: {  	[tilespmem:$0x16DF0] =	vst v0  }
0x6d: {  	[tilespmem:$0x16E00] =	vst v0  }
0x6e: {  	[tilespmem:$0x16E10] =	vst v0  }
0x6f: {  	[tilespmem:$0x16E20] =	vst v0  }
0x70: {  	[tilespmem:$0x16E30] =	vst v0  }
0x71: {  	[tilespmem:$0x16E40] =	vst v0  }
0x72: {  	[tilespmem:$0x16E50] =	vst v0  }
0x73: {  	[tilespmem:$0x16E60] =	vst v0  }
0x74: {  	s22 =	simm.s32 $0x16C00;
	[tilespmem:$0x16E70] =	vst v0  }
0x75: {  	[spmem:s14] =	stream.linear.scatter [tilespmem:s22], [sflag:$0x2], $0x280, $0x38;
	[tilespmem:$0x16E80] =	vst v63  }
0x76: {  	_ =	swait.ge [sflag:s21], $0x280  }
0x77: {  	[sflag:s21] =	ssyncset.done $0x0  }
0x78: {  	[sflag:s21] =	ssyncadd.s32 $0xFFFFFD80  }
0x79: {  	s29 =	sadd.s32 $0x0, s18;
	[bflag:$0x0] =	sbarrier.arrive $0xFFFF  }
0x7a: {  	[tilespmem:s23], [sflag:$0x2] =	stream.linear.gather [hbm4b:s29+s5], $0x80, $0x38;
	[tilespmem:$0x16E80] =	vst v63  }
0x7b: {  	_ =	swait.ge [sflag:s21], $0x80  }
0x7c: {  	[sflag:s21] =	ssyncset.done $0x0  }
0x7d: {  	s30 =	sadd.s32 $0x0, s19;
	[sflag:s21] =	ssyncadd.s32 $0xFFFFFF80  }
0x7e: {  	[tilespmem:s24], [sflag:$0x2] =	stream.linear.gather [hbm4b:s30+s5], $0x80, $0x38;
	[tilespmem:$0x16E80] =	vst v63  }
0x7f: {  	_ =	swait.ge [sflag:s21], $0x80  }
0x80: {  	[sflag:s21] =	ssyncset.done $0x0  }
0x81: {  	[sflag:s21] =	ssyncadd.s32 $0xFFFFFF80  }
0x82: {  	[tilespmem:s20], [sflag:$0x1] =	stream.indirect.gather [hbm4b:s1+s25], $0x80, s23, s25, $0xb8;
	[tilespmem:$0x16E80] =	vst v63  }
0x83: {  	_ =	swait.ge [sflag:s26], $0x2800  }
0x84: {  	[sflag:s26] =	ssyncset.done $0x0  }
0x85: {  	[sflag:s26] =	ssyncadd.s32 $0xFFFFD800  }
0x86: {  	[spmem:s2] =	stream.indirect.scatter.add.f32 [tilespmem:s20], [sflag:$0x2], $0x80, s24, s25, $0xb8;
	[tilespmem:$0x16E80] =	vst v63  }
0x87: {  	_ =	swait.ge [sflag:s21], $0x2800  }
0x88: {  	[sflag:s21] =	ssyncset.done $0x0  }
0x89: {  	[sflag:s21] =	ssyncadd.s32 $0xFFFFD800  }
0x8a: {  	[spmem:s3] =	stream.indirect.scatter.add.f32 [tilespmem:s28], [sflag:$0x2], $0x1, s24, s25, $0xb8;
	[tilespmem:$0x16E80] =	vst v63  }
0x8b: {  	_ =	swait.ge [sflag:s21], $0x50  }
0x8c: {  	s0 =	simm.s32 $0x10;
	s22 =	simm.s32 $0x20;
	[sflag:s21] =	ssyncset.done $0x0  }
.LBB2_4:
0x8d: {  	s4 =	sadd.s32 s0, s18  }
0x8e: {  	[sflag:s21] =	ssyncadd.s32 $0xFFFFFFB0;
	s29 =	smov.u32 s22;
	s30 =	sadd.s32 $0x10, s22  }
0x8f: {  	[tilespmem:s23], [sflag:$0x2] =	stream.linear.gather [hbm4b:s4+s5], $0x80, $0x38;
	[tilespmem:$0x16E80] =	vst v63  }
0x90: {  	p0 =	sne.s32 s22, $0x7C0;
	_ =	swait.ge [sflag:s21], $0x80  }
0x91: {  	[sflag:s21] =	ssyncset.done $0x0  }
0x92: {  	s4 =	sadd.s32 s0, s19;
	s0 =	smov.u32 s29;
	[sflag:s21] =	ssyncadd.s32 $0xFFFFFF80  }
0x93: {  	[tilespmem:s24], [sflag:$0x2] =	stream.linear.gather [hbm4b:s4+s5], $0x80, $0x38;
	[tilespmem:$0x16E80] =	vst v63  }
0x94: {  	_ =	swait.ge [sflag:s21], $0x80  }
0x95: {  	[sflag:s21] =	ssyncset.done $0x0  }
0x96: {  	[sflag:s21] =	ssyncadd.s32 $0xFFFFFF80  }
0x97: {  	[tilespmem:s20], [sflag:$0x1] =	stream.indirect.gather [hbm4b:s1+s25], $0x80, s23, s25, $0xb8;
	[tilespmem:$0x16E80] =	vst v63  }
0x98: {  	_ =	swait.ge [sflag:s26], $0x2800  }
0x99: {  	[sflag:s26] =	ssyncset.done $0x0  }
0x9a: {  	[sflag:s26] =	ssyncadd.s32 $0xFFFFD800  }
0x9b: {  	[spmem:s2] =	stream.indirect.scatter.add.f32 [tilespmem:s20], [sflag:$0x2], $0x80, s24, s25, $0xb8;
	[tilespmem:$0x16E80] =	vst v63  }
0x9c: {  	_ =	swait.ge [sflag:s21], $0x2800  }
.Ltmp1:
0x9d: {  	[sflag:s21] =	ssyncset.done $0x0;
	(pc) =	sbr.rel @p0 .LBB2_4-.Ltmp1, $4  }
0x9e: {  	[sflag:s21] =	ssyncadd.s32 $0xFFFFD800  }
0x9f: {  	[spmem:s3] =	stream.indirect.scatter.add.f32 [tilespmem:s28], [sflag:$0x2], $0x1, s24, s25, $0xb8;
	[tilespmem:$0x16E80] =	vst v63  }
0xa0: {  	_ =	swait.ge [sflag:s21], $0x50  }
0xa1: {  	s22 =	smov.u32 s30;
	[sflag:s21] =	ssyncset.done $0x0  }
0xa2: {  	s4 =	sadd.s32 s0, s18;
	[sflag:s21] =	ssyncadd.s32 $0xFFFFFFB0  }
0xa3: {  	[tilespmem:s23], [sflag:$0x2] =	stream.linear.gather [hbm4b:s4+s5], $0x80, $0x38;
	[tilespmem:$0x16E80] =	vst v63  }
0xa4: {  	_ =	swait.ge [sflag:s21], $0x80  }
0xa5: {  	[sflag:s21] =	ssyncset.done $0x0  }
0xa6: {  	s4 =	sadd.s32 s0, s19;
	[sflag:s21] =	ssyncadd.s32 $0xFFFFFF80  }
0xa7: {  	[tilespmem:s24], [sflag:$0x2] =	stream.linear.gather [hbm4b:s4+s5], $0x80, $0x38;
	[tilespmem:$0x16E80] =	vst v63  }
0xa8: {  	_ =	swait.ge [sflag:s21], $0x80  }
0xa9: {  	[sflag:s21] =	ssyncset.done $0x0  }
0xaa: {  	[sflag:s21] =	ssyncadd.s32 $0xFFFFFF80  }
0xab: {  	[tilespmem:s20], [sflag:$0x1] =	stream.indirect.gather [hbm4b:s1+s25], $0x80, s23, s25, $0xb8;
	[tilespmem:$0x16E80] =	vst v63  }
0xac: {  	_ =	swait.ge [sflag:s26], $0x2800  }
0xad: {  	[sflag:s26] =	ssyncset.done $0x0  }
0xae: {  	[sflag:s26] =	ssyncadd.s32 $0xFFFFD800  }
0xaf: {  	[spmem:s2] =	stream.indirect.scatter.add.f32 [tilespmem:s20], [sflag:$0x2], $0x80, s24, s25, $0xb8;
	[tilespmem:$0x16E80] =	vst v63  }
0xb0: {  	_ =	swait.ge [sflag:s21], $0x2800  }
0xb1: {  	[sflag:s21] =	ssyncset.done $0x0  }
0xb2: {  	[sflag:s21] =	ssyncadd.s32 $0xFFFFD800  }
0xb3: {  	[spmem:s3] =	stream.indirect.scatter.add.f32 [tilespmem:s28], [sflag:$0x2], $0x1, s24, s25, $0xb8;
	[tilespmem:$0x16E80] =	vst v63  }
0xb4: {  	_ =	swait.ge [sflag:s21], $0x50  }
0xb5: {  	s22 =	stileid.u32;
	[sflag:s21] =	ssyncset.done $0x0  }
0xb6: {  	s0 =	sshll.u32 s22, $0x6;
	[sflag:s21] =	ssyncadd.s32 $0xFFFFFFB0  }
0xb7: {  	s29 =	sshrl.u32 s6, $0x3;
	s0 =	sor.u32 $0x1C02, s0;
	[bflag:$0x0] =	sbarrier.arrive $0xFFFF  }
0xb8: {  	[hbm:s15], [sflag:s0] =	dma.local [spmem:s29], $0x2800  }
0xb9: {  	s30 =	sshrl.u32 s14, $0x3;
	s31 =	sadd.s32 $0x1, s31;
	_ =	swait.ge [sflag:s21], $0x2800  }
0xba: {  	s22 =	simm.s32 $0x20;
	p0 =	sne.s32 s31, s17;
	[sflag:s21] =	ssyncset.done $0x0  }
.Ltmp2:
0xbb: {  	s29 =	simm.s32 $0x10;
	[sflag:s21] =	ssyncadd.s32 $0xFFFFD800;
	(pc) =	sbr.rel @p0 .LBB2_1-.Ltmp2, $4  }
0xbc: {  	[hbm:s16@s22], [sflag:s0] =	dma.strided [spmem:s30@s29], $0x50, s26, $0x10   }
0xbd: {  	_ =	swait.ge [sflag:s21], $0x50  }
0xbe: {  	[sflag:s21] =	ssyncset.done $0x0  }
0xbf: {  	[sflag:s21] =	ssyncadd.s32 $0xFFFFFFB0  }
0xc0: {  	_ =	sfence.sel $0x180000  }
0xc1: {  	[bflag:$0x0] =	sbarrier.arrive $0xFFFF  }
0xc2: {  	_ =	strace $0x90000047  }
0xc3: {  	s0 =	stileid.u32;
	[bflag:$0x2] =	sbarrier.arrive $0xFFFF  }
0xc4: {  	p0 =	sne.s32 s0, $0x0;
	s0 =	rddreg [dreg:$0x5]  }
0xc5: {  	s0 =	sadd.s32 @!p0 $0x100000, s0  }
0xc6: {  	[sflag:s0] =	ssyncadd.tile.s32 @!p0 $0x1;
	_ =	shalt  }
.Lfunc_end2:
_tile_overlayer_lowered:
.L_overlay_start_2:
0xc7: {  	(tag) =	ssettag $0x2  }
0xc8: {  	s0 =	rddreg [dreg:$0x0];
	s2 =	stileid.u32  }
0xc9: {  	s1 =	rddreg [dreg:$0x1];
	p0 =	sne.s32 s2, $0x0  }
0xca: {  	s3 =	rddreg [dreg:$0x2];
	[bflag:$0x3] =	sbarrier.arrive $0xFFFF;
	s2 =	simm.s32 @!p0 $0x1C02  }
0xcb: {  	[timem:s3], [sflag:s2] =	dma.local @!p0 [hbm:s0], s1  }
0xcc: {  	s0 =	simm.s32 @!p0 $0x2  }
0xcd: {  	_ =	swait.ge @!p0 [sflag:s0], s1  }
0xce: {  	s1 =	ssub.s32 @!p0 $0x0, s1;
	[sflag:s0] =	ssyncset.done @!p0 $0x0  }
0xcf: {  	[sflag:s0] =	ssyncadd.s32 @!p0 s1  }
0xd0: {  	[bflag:$0x3] =	sbarrier.arrive $0xFFFF  }
0xd1: {  	_ =	shalt  }

// kernel: kernel.9.cloned.1.call-start
scs
__scs_entry_jumppad:
0x0: {  	(pc) =	sbr.rel $0x88, $3  }
0x1: {  	(tag) =	ssettag $0x0;
	lr =	simm.s32 $0x1  }
0x2: {  	[smem:$0x3F98] =	sst lr;
	_ =	strace $0xD0000000  }
0x3: {  	_ = 	snop  }
0x4: {  	_ = 	snop  }
0x5: {  	_ = 	snop  }
0x6: {  	_ = 	snop  }
0x7: {  	_ = 	snop  }
__scs_overlays_trampoline_lowered:
0x8: {  	[smem:$0x3FA7] =	sst s0  }
0x9: {  	[smem:$0x3FA8] =	sst s1  }
0xa: {  	[smem:$0x3FA9] =	sst s2  }
0xb: {  	[smem:$0x3FAA] =	sst s3  }
0xc: {  	[smem:$0x3FAB] =	sst s4  }
0xd: {  	[smem:$0x3FAC] =	sst s5  }
0xe: {  	[smem:$0x3FAD] =	sst s6  }
0xf: {  	[smem:$0x3FAE] =	sst s7  }
0x10: {  	[smem:$0x3FAF] =	sst s8  }
0x11: {  	[smem:$0x3FB0] =	sst s9;
	s0 =	simm.s32 @!p0 $0x0  }
0x12: {  	s1 =	sld [smem:$0x3F96];
	s0 =	simm.s32 @p0 $0x1  }
0x13: {  	[smem:$0x3FB1] =	sst s0;
	s0 =	simm.s32 @!p1 $0x0  }
0x14: {  	s2 =	sld [smem:$0x3F95];
	s0 =	simm.s32 @p1 $0x1  }
0x15: {  	[smem:$0x3FB2] =	sst s0;
	s0 =	simm.s32 @!p2 $0x0  }
0x16: {  	s3 =	sld [smem:$0x3FDB];
	s0 =	simm.s32 @p2 $0x1  }
0x17: {  	s4 =	simm.s32 $0x1BF5;
	[smem:$0x3FB4] =	sst s0  }
0x18: {  	s0 =	sld [smem:$0x3F97];
	_ =	swait.ge [sflag:s4], $0x0  }
0x19: {  	s7 =	sld [smem:$0x3F98]  }
0x1a: {  	s8 =	sadd.s32 $0xFFFFE003, lr  }
0x1b: {  	s9 =	sadd.s32 $0xFFFFFEF7, lr;
	s5 =	simm.s32 $0xFFFFFFFF;
	p2 =	slt.u32 s8, $0xFFFFF086  }
0x1c: {  	p1 =	slt.u32 s9, $0xF7A;
	s5 =	simm.s32 @!p2 $0x0  }
0x1d: {  	s5 =	simm.s32 @p1 $0x1;
	p0 =	seq.s32 s7, s2  }
0x1e: {  	s7 =	smul.u32 @!p0 $0xF7A, s2;
	p2 =	seq.s32 @!p0 s5, $0x0  }
0x1f: {  	s9 =	smul.u32 $0xF7A, s1;
	s8 =	simm.s32 @!p0 $0x1BF5;
	p2 =	por !p2, p0  }
0x20: {  	[sflag:s8] =	ssyncset.s32 @!p0 $0xFFFFF086;
	s6 =	sadd.s32 @!p0 s3, s7;
	s7 =	simm.s32 @!p0 $0x108  }
0x21: {  	s3 =	sadd.s32 s3, s9;
	s6 =	sadd.s32 @!p0 $0x88, s6;
	s7 =	simm.s32 @p2 $0x1082  }
0x22: {  	[simem:s7], [sflag:s8] =	dma.local @!p0 [hbm:s6], $0xF7A  }
0x23: {  	s9 =	sor.u32 $0xD0000000, s2;
	s6 =	simm.s32 $0x108;
	_ =	swait.ge @!p0 [sflag:s8], $0x0  }
0x24: {  	s3 =	sadd.s32 $0x88, s3;
	s6 =	simm.s32 @!p1 $0x1082;
	[sflag:s4] =	ssyncset.s32 $0xFFFFF086  }
0x25: {  	[simem:s6], [sflag:s4] =	dma.local [hbm:s3], $0xF7A  }
0x26: {  	[smem:$0x3F98] =	sst s1;
	(tag) =	ssettag s2;
	_ =	strace s9  }
0x27: {  	s1 =	sld [smem:$0x3FA8]  }
0x28: {  	s2 =	sld [smem:$0x3FA9]  }
0x29: {  	s4 =	sld [smem:$0x3FAB]  }
0x2a: {  	p0 =	seq.s32 s5, $0x0;
	s5 =	sld [smem:$0x3FAC]  }
0x2b: {  	s6 =	sld [smem:$0x3FAD]  }
0x2c: {  	s7 =	sld [smem:$0x3FAE]  }
0x2d: {  	s3 =	simm.s32 $0x108;
	s8 =	sld [smem:$0x3FAF]  }
0x2e: {  	s3 =	simm.s32 @!p0 $0x1082;
	s9 =	sld [smem:$0x3FB0]  }
0x2f: {  	lr =	sadd.s32 s0, s3;
	s0 =	sld [smem:$0x3FA7]  }
0x30: {  	s3 =	sld [smem:$0x3FAA]  }
0x31: {  	[smem:$0x3FB3] =	sst s10  }
0x32: {  	s10 =	sld [smem:$0x3FB1];
	_ =	sdelay $0x3  }
0x33: {  	p0 =	seq.s32 s10, $0x1;
	s10 =	sld [smem:$0x3FB3];
	_ =	sdelay $0x3  }
0x34: {  	[smem:$0x3FB3] =	sst s10  }
0x35: {  	s10 =	sld [smem:$0x3FB2];
	_ =	sdelay $0x3  }
0x36: {  	p1 =	seq.s32 s10, $0x1;
	s10 =	sld [smem:$0x3FB3];
	_ =	sdelay $0x3  }
0x37: {  	[smem:$0x3FB3] =	sst s10  }
0x38: {  	s10 =	sld [smem:$0x3FB4]  }
0x39: {  	_ = 	snop;
	(pc) =	sbr.ind lr, $3  }
0x3a: {  	_ = 	snop  }
0x3b: {  	_ = 	snop  }
0x3c: {  	p2 =	seq.s32 s10, $0x1;
	s10 =	sld [smem:$0x3FB3]  }
0x3d: {  	_ =	shalt  }
0x3e: {  	_ =	shalt  }
0x3f: {  	_ =	shalt  }
0x40: {  	_ =	shalt  }
0x41: {  	_ =	shalt  }
0x42: {  	_ =	shalt  }
0x43: {  	_ =	shalt  }
0x44: {  	_ =	shalt  }
0x45: {  	_ =	shalt  }
0x46: {  	_ =	shalt  }
0x47: {  	_ =	shalt  }
0x48: {  	_ =	shalt  }
0x49: {  	_ =	shalt  }
0x4a: {  	_ =	shalt  }
0x4b: {  	_ =	shalt  }
0x4c: {  	_ =	shalt  }
0x4d: {  	_ =	shalt  }
0x4e: {  	_ =	shalt  }
0x4f: {  	_ =	shalt  }
0x50: {  	_ =	shalt  }
0x51: {  	_ =	shalt  }
0x52: {  	_ =	shalt  }
0x53: {  	_ =	shalt  }
0x54: {  	_ =	shalt  }
0x55: {  	_ =	shalt  }
0x56: {  	_ =	shalt  }
0x57: {  	_ =	shalt  }
0x58: {  	_ =	shalt  }
0x59: {  	_ =	shalt  }
0x5a: {  	_ =	shalt  }
0x5b: {  	_ =	shalt  }
0x5c: {  	_ =	shalt  }
0x5d: {  	_ =	shalt  }
0x5e: {  	_ =	shalt  }
0x5f: {  	_ =	shalt  }
0x60: {  	_ =	shalt  }
0x61: {  	_ =	shalt  }
0x62: {  	_ =	shalt  }
0x63: {  	_ =	shalt  }
0x64: {  	_ =	shalt  }
0x65: {  	_ =	shalt  }
0x66: {  	_ =	shalt  }
0x67: {  	_ =	shalt  }
0x68: {  	_ =	shalt  }
0x69: {  	_ =	shalt  }
0x6a: {  	_ =	shalt  }
0x6b: {  	_ =	shalt  }
0x6c: {  	_ =	shalt  }
0x6d: {  	_ =	shalt  }
0x6e: {  	_ =	shalt  }
0x6f: {  	_ =	shalt  }
0x70: {  	_ =	shalt  }
0x71: {  	_ =	shalt  }
0x72: {  	_ =	shalt  }
0x73: {  	_ =	shalt  }
0x74: {  	_ =	shalt  }
0x75: {  	_ =	shalt  }
0x76: {  	_ =	shalt  }
0x77: {  	_ =	shalt  }
0x78: {  	_ =	shalt  }
0x79: {  	_ =	shalt  }
0x7a: {  	_ =	shalt  }
0x7b: {  	_ =	shalt  }
0x7c: {  	_ =	shalt  }
0x7d: {  	_ =	shalt  }
0x7e: {  	_ =	shalt  }
0x7f: {  	_ =	shalt  }
0x80: {  	_ =	shalt  }
0x81: {  	_ =	shalt  }
0x82: {  	_ =	shalt  }
0x83: {  	_ =	shalt  }
0x84: {  	_ =	shalt  }
0x85: {  	_ =	shalt  }
0x86: {  	_ =	shalt  }
0x87: {  	_ =	shalt  }
.Lfunc_end0:
.L_simem_size_0:
called_computation.1_lowered:
.L_overlay_start_0:
0x88: {  	s2 =	sld [smem:$0x3FD9]  }
0x89: {  	s3 =	sld [smem:$0x3FFE];
	_ =	sdelay $0x1  }
0x8a: {  	s1 =	srdreg.scid  }
0x8b: {  	s0 =	sand.u32 $0x1, s1  }
0x8c: {  	s17 =	sshll.u32 s0, $0xA;
	s2 =	sadd.s32 s3, s2  }
0x8d: {  	s2 =	sadd.s32 s2, s17  }
0x8e: {  	[smem:$0x3FBF] =	sst s2  }
0x8f: {  	_ = 	snop  }
0x90: {  	s2 =	sld [smem:$0x3FD0];
	(tm) =	ssettm $0x1  }
0x91: {  	s18 =	sld [smem:$0x3FFB];
	_ =	sdelay $0x3  }
0x92: {  	_ =	strace s18  }
0x93: {  	s3 =	sld [smem:$0x3FFC];
	_ =	sdelay $0x3  }
0x94: {  	_ =	strace s3  }
0x95: {  	s3 =	sld [smem:$0x3FFD];
	_ =	sdelay $0x3  }
0x96: {  	_ =	strace s3  }
0x97: {  	_ =	strace $0x8FFFFFFF  }
0x98: {  	s19 =	sld [smem:$0x3FDB];
	_ =	sdelay $0x1  }
0x99: {  	s4 =	simm.s32 $_scs_section_size  }
0x9a: {  	s5 =	simm.s32 $_size__tile_overlayer_lowered;
	s6 =	simm.s32 $_tile_overlayer_lowered  }
0x9b: {  	s22 =	simm.s32 $0x1BFF;
	s21 =	sshll.u32 s6, $0x1;
	s3 =	sadd.s32 s4, s19  }
0x9c: {  	s7 =	simm.s32 $0x0;
	s20 =	sshll.u32 s5, $0x1;
	s5 =	sadd.s32 s21, s3  }
0x9d: {  	[timem:s7], [sflag:s22] =	dma.local [hbm:s5], s20  }
0x9e: {  	_ =	swait.ge [sflag:s22], s20  }
0x9f: {  	s4 =	ssub.s32 $0x0, s20;
	[sflag:s22] =	ssyncset.done $0x0  }
0xa0: {  	[sflag:s22] =	ssyncadd.s32 s4;
	_ =	sdelay $0x1  }
0xa1: {  	s23 =	simm.s32 $0x1B8B  }
0xa2: {  	_ =	swait.ge [sflag:s23], $0x1  }
0xa3: {  	[sflag:s23] =	ssyncset.done $0x0  }
0xa4: {  	s25 =	simm.s32 $0x1B8E;
	s24 =	sld [smem:$0x3FFE];
	[sflag:s23] =	ssyncadd.s32 $0xFFFFFFFF  }
0xa5: {  	s26 =	simm.s32 $execute0_lowered;
	[smem:$0x3FD2] =	sst s25  }
0xa6: {  	s5 =	sshll.u32 s26, $0x1;
	_ =	strace $0x80000049;
	[dreg:$0x1] =	wrdreg $0xFFFFFFFF  }
0xa7: {  	s28 =	simm.s32 $_size_execute0_lowered;
	s3 =	sadd.s32 s3, s5;
	[dreg:$0x0] =	wrdreg $0x0  }
0xa8: {  	s5 =	sshll.u32 s28, $0x1;
	[dreg:$0x2] =	wrdreg s3  }
0xa9: {  	[dreg:$0x3] =	wrdreg s5  }
0xaa: {  	[dreg:$0x4] =	wrdreg $0xC0  }
0xab: {  	_ =	task [dreg:s7], $0x5FFFF  }
0xac: {  	[dreg:$0x1] =	wrdreg $0xFFFFFFFF  }
0xad: {  	[dreg:$0x0] =	wrdreg $0x60  }
0xae: {  	[dreg:$0x2] =	wrdreg s24  }
0xaf: {  	[dreg:$0x3] =	wrdreg s2  }
0xb0: {  	[dreg:$0x4] =	wrdreg $0x0  }
0xb1: {  	[dreg:$0x5] =	wrdreg $0x9  }
0xb2: {  	_ =	task.clear_ibuf [dreg:s7], $0x6FFFF;
	_ =	strace $0x90000049  }
0xb3: {  	s29 =	simm.s32 $0x9;
	_ =	strace $0x8000004B  }
0xb4: {  	_ =	swait.ge [sflag:s29], $0x1  }
0xb5: {  	[sflag:s29] =	ssyncadd.s32 $0xFFFFFFFF  }
0xb6: {  	_ =	strace $0x9000004B  }
0xb7: {  	_ =	sfence  }
0xb8: {  	s30 =	sld [smem:$0x0];
	_ =	sdelay $0x2  }
0xb9: {  	s31 =	sshll.u32 s1, $0xD;
	s1 =	sshrl.u32 s1, $0x2  }
0xba: {  	s3 =	sand.u32 $0x4000, s31;
	s1 =	sadd.s32 s1, s30  }
0xbb: {  	s0 =	sor.u32 s3, s0;
	s1 =	sshll.u32 s1, $0x11  }
0xbc: {  	s0 =	sor.u32 s1, s0  }
0xbd: {  	s0 =	sadd.s32 $0x8F2B, s0  }
0xbe: {  	[sflag:s0] =	ssyncadd.remote.s32 $0x1  }
0xbf: {  	_ =	sfence.sel $0xFFFF  }
0xc0: {  	[dreg:$0x0] =	wrdreg $0xFFFFFFFF;
	(pc) =	sbr.abs _section_cstart, $3  }
0xc1: {  	[dreg:$0x1] =	wrdreg $0xFFFFFFFF  }
0xc2: {  	_ =	task.clear_ibuf [dreg:s7], $0x2FFFF;
	_ =	strace $0x9FFFFFFF  }
0xc3: {  	(tm) =	ssettm $0x7FFFFFFF  }
tec
execute0_lowered:
.L_overlay_start_1:
0x0: {  	(tag) =	ssettag $0x1  }
0x1: {  	s5 =	rddreg [dreg:$0x0]  }
0x2: {  	s15 =	rddreg [dreg:$0x1]  }
0x3: {  	s1 =	rddreg [dreg:$0x2]  }
0x4: {  	s0 =	rddreg [dreg:$0x3];
	s3 =	simm.s32 $0x0;
	s2 =	srdreg.scid  }
0x5: {  	s19 =	simm.s32 $0x14000;
	s20 =	simm.s32 $0x14080;
	s21 =	simm.s32 $0x50  }
0x6: {  	s22 =	simm.s32 $0x1;
	[smem:$0x7FF] =	sst s3;
	s6 =	sand.u32 $0x1, s2  }
0x7: {  	s23 =	simm.s32 $0x0;
	s2 =	stileid.u32;
	s7 =	smul.u32 $0x140000, s6  }
0x8: {  	s4 =	sadd.s32 $0x12400, s5;
	_ =	strace $0x8000004A;
	s8 =	smul.u32 $0x14000, s2  }
0x9: {  	s16 =	sshll.u32 s6, $0xF;
	s9 =	smul.u32 $0x50000, s2;
	s6 =	ssub.s32 $0x2, s6  }
0xa: {  	s18 =	sshll.u32 s2, $0xB;
	s17 =	sadd.s32 s16, s5;
	s30 =	sshrl.u32 s6, $0x1  }
0xb: {  	s15 =	sadd.s32 s16, s15;
	s7 =	sadd.s32 s8, s7;
	s9 =	sshrl.u32 s9, $0x2  }
0xc: {  	s14 =	ssub.s32 s6, s30;
	s31 =	sadd.s32 s18, s17;
	s15 =	sadd.s32 s18, s15  }
0xd: {  	s17 =	simm.s32 $0x14100;
	s18 =	simm.s32 $0x2;
	s7 =	sshrl.u32 s7, $0x3  }
0xe: {  	s14 =	smax.u32 s14, $0x1;
	s13 =	sadd.s32 s7, s5;
	s5 =	sadd.s32 s9, s1  }
0xf: {  	s16 =	sadd.s32 $0x2400, s31;
	s6 =	sadd.s32 $0x2800, s5;
	s7 =	sadd.s32 $0x5000, s5  }
0x10: {  	s8 =	sadd.s32 $0x7800, s5;
	s9 =	sadd.s32 $0xA000, s5;
	s10 =	sadd.s32 $0xC800, s5  }
0x11: {  	v0 =	vimm.f32 $0.0e+00;
	s11 =	sadd.s32 $0xF000, s5;
	s12 =	sadd.s32 $0x11800, s5;
	s13 =	sadd.s32 $0xB2E00, s13  }
.LBB2_1:
0x12: {  	s24 =	simm.s32 $0x70;
	s25 =	simm.s32 $0x3C0  }
.LBB2_2:
0x13: {  	p0 =	sne.s32 s25, $0x9FC0;
	[tilespmem:s24+$0x14100] =	vst v0  }
0x14: {  	[tilespmem:s24+$0x14090] =	vst v0  }
0x15: {  	[tilespmem:s24+$0x140A0] =	vst v0  }
.Ltmp0:
0x16: {  	[tilespmem:s24+$0x140B0] =	vst v0;
	(pc) =	sbr.rel @p0 .LBB2_2-.Ltmp0, $4  }
0x17: {  	[tilespmem:s24+$0x140C0] =	vst v0  }
0x18: {  	[tilespmem:s24+$0x140D0] =	vst v0  }
0x19: {  	[tilespmem:s24+$0x140E0] =	vst v0  }
0x1a: {  	[tilespmem:s24+$0x140F0] =	vst v0;
	s24 =	sshra.s32 s25, $0x2;
	s25 =	sadd.s32 $0x200, s25  }
0x1b: {  	[tilespmem:s24+$0x14100] =	vst v0  }
0x1c: {  	[tilespmem:s24+$0x14090] =	vst v0  }
0x1d: {  	[tilespmem:s24+$0x140A0] =	vst v0  }
0x1e: {  	[tilespmem:s24+$0x140B0] =	vst v0  }
0x1f: {  	[tilespmem:s24+$0x140C0] =	vst v0  }
0x20: {  	[tilespmem:s24+$0x140D0] =	vst v0  }
0x21: {  	[tilespmem:s24+$0x140E0] =	vst v0  }
0x22: {  	[tilespmem:s24+$0x140F0] =	vst v0  }
0x23: {  	[spmem:s5] =	stream.linear.scatter [tilespmem:s17], [sflag:$0x2], $0x2800, $0x38;
	[tilespmem:$0x16900] =	vst v63  }
0x24: {  	_ =	swait.ge [sflag:s18], $0x2800  }
0x25: {  	[sflag:s18] =	ssyncset.done $0x0  }
0x26: {  	[sflag:s18] =	ssyncadd.s32 $0xFFFFD800  }
0x27: {  	[spmem:s6] =	stream.linear.scatter [tilespmem:s17], [sflag:$0x2], $0x2800, $0x38;
	[tilespmem:$0x16900] =	vst v63  }
0x28: {  	_ =	swait.ge [sflag:s18], $0x2800  }
0x29: {  	[sflag:s18] =	ssyncset.done $0x0  }
0x2a: {  	[sflag:s18] =	ssyncadd.s32 $0xFFFFD800  }
0x2b: {  	[spmem:s7] =	stream.linear.scatter [tilespmem:s17], [sflag:$0x2], $0x2800, $0x38;
	[tilespmem:$0x16900] =	vst v63  }
0x2c: {  	_ =	swait.ge [sflag:s18], $0x2800  }
0x2d: {  	[sflag:s18] =	ssyncset.done $0x0  }
0x2e: {  	[sflag:s18] =	ssyncadd.s32 $0xFFFFD800  }
0x2f: {  	[spmem:s8] =	stream.linear.scatter [tilespmem:s17], [sflag:$0x2], $0x2800, $0x38;
	[tilespmem:$0x16900] =	vst v63  }
0x30: {  	_ =	swait.ge [sflag:s18], $0x2800  }
0x31: {  	[sflag:s18] =	ssyncset.done $0x0  }
0x32: {  	[sflag:s18] =	ssyncadd.s32 $0xFFFFD800  }
0x33: {  	[spmem:s9] =	stream.linear.scatter [tilespmem:s17], [sflag:$0x2], $0x2800, $0x38;
	[tilespmem:$0x16900] =	vst v63  }
0x34: {  	_ =	swait.ge [sflag:s18], $0x2800  }
0x35: {  	[sflag:s18] =	ssyncset.done $0x0  }
0x36: {  	[sflag:s18] =	ssyncadd.s32 $0xFFFFD800  }
0x37: {  	[spmem:s10] =	stream.linear.scatter [tilespmem:s17], [sflag:$0x2], $0x2800, $0x38;
	[tilespmem:$0x16900] =	vst v63  }
0x38: {  	_ =	swait.ge [sflag:s18], $0x2800  }
0x39: {  	[sflag:s18] =	ssyncset.done $0x0  }
0x3a: {  	[sflag:s18] =	ssyncadd.s32 $0xFFFFD800  }
0x3b: {  	[spmem:s11] =	stream.linear.scatter [tilespmem:s17], [sflag:$0x2], $0x2800, $0x38;
	[tilespmem:$0x16900] =	vst v63  }
0x3c: {  	_ =	swait.ge [sflag:s18], $0x2800  }
0x3d: {  	[sflag:s18] =	ssyncset.done $0x0  }
0x3e: {  	[sflag:s18] =	ssyncadd.s32 $0xFFFFD800  }
0x3f: {  	[spmem:s12] =	stream.linear.scatter [tilespmem:s17], [sflag:$0x2], $0x2800, $0x38;
	[tilespmem:$0x16900] =	vst v63  }
0x40: {  	_ =	swait.ge [sflag:s18], $0x2800  }
0x41: {  	[sflag:s18] =	ssyncset.done $0x0  }
0x42: {  	[sflag:s18] =	ssyncadd.s32 $0xFFFFD800  }
0x43: {  	s30 =	sadd.s32 $0x0, s15;
	[bflag:$0x0] =	sbarrier.arrive $0xFFFF  }
0x44: {  	[tilespmem:s19], [sflag:$0x2] =	stream.linear.gather [hbm4b:s30+s3], $0x80, $0x38;
	[tilespmem:$0x16900] =	vst v63  }
0x45: {  	_ =	swait.ge [sflag:s18], $0x80  }
0x46: {  	[sflag:s18] =	ssyncset.done $0x0  }
0x47: {  	s31 =	sadd.s32 $0x0, s16;
	[sflag:s18] =	ssyncadd.s32 $0xFFFFFF80  }
0x48: {  	[tilespmem:s20], [sflag:$0x2] =	stream.linear.gather [hbm4b:s31+s3], $0x80, $0x38;
	[tilespmem:$0x16900] =	vst v63  }
0x49: {  	_ =	swait.ge [sflag:s18], $0x80  }
0x4a: {  	[sflag:s18] =	ssyncset.done $0x0  }
0x4b: {  	[sflag:s18] =	ssyncadd.s32 $0xFFFFFF80  }
0x4c: {  	[tilespmem:s17], [sflag:$0x1] =	stream.indirect.gather [hbm4b:s4+s21], $0x80, s19, s21, $0xb8;
	[tilespmem:$0x16900] =	vst v63  }
0x4d: {  	_ =	swait.ge [sflag:s22], $0x2800  }
0x4e: {  	[sflag:s22] =	ssyncset.done $0x0  }
0x4f: {  	[sflag:s22] =	ssyncadd.s32 $0xFFFFD800  }
0x50: {  	[spmem:s1] =	stream.indirect.scatter.add.f32 [tilespmem:s17], [sflag:$0x2], $0x80, s20, s21, $0xb8;
	[tilespmem:$0x16900] =	vst v63  }
0x51: {  	_ =	swait.ge [sflag:s18], $0x2800  }
0x52: {  	s24 =	simm.s32 $0x10;
	s25 =	simm.s32 $0x20;
	[sflag:s18] =	ssyncset.done $0x0  }
.LBB2_4:
0x53: {  	s26 =	sadd.s32 s24, s15  }
0x54: {  	[sflag:s18] =	ssyncadd.s32 $0xFFFFD800;
	s28 =	smov.u32 s25;
	s29 =	sadd.s32 $0x10, s25  }
0x55: {  	[tilespmem:s19], [sflag:$0x2] =	stream.linear.gather [hbm4b:s26+s3], $0x80, $0x38;
	[tilespmem:$0x16900] =	vst v63  }
0x56: {  	p0 =	sne.s32 s25, $0x7C0;
	_ =	swait.ge [sflag:s18], $0x80  }
0x57: {  	[sflag:s18] =	ssyncset.done $0x0  }
0x58: {  	s25 =	sadd.s32 s24, s16;
	s24 =	smov.u32 s28;
	[sflag:s18] =	ssyncadd.s32 $0xFFFFFF80  }
0x59: {  	[tilespmem:s20], [sflag:$0x2] =	stream.linear.gather [hbm4b:s25+s3], $0x80, $0x38;
	[tilespmem:$0x16900] =	vst v63  }
0x5a: {  	_ =	swait.ge [sflag:s18], $0x80  }
0x5b: {  	[sflag:s18] =	ssyncset.done $0x0  }
0x5c: {  	[sflag:s18] =	ssyncadd.s32 $0xFFFFFF80  }
0x5d: {  	[tilespmem:s17], [sflag:$0x1] =	stream.indirect.gather [hbm4b:s4+s21], $0x80, s19, s21, $0xb8;
	[tilespmem:$0x16900] =	vst v63  }
0x5e: {  	_ =	swait.ge [sflag:s22], $0x2800  }
.Ltmp1:
0x5f: {  	[sflag:s22] =	ssyncset.done $0x0;
	(pc) =	sbr.rel @p0 .LBB2_4-.Ltmp1, $4  }
0x60: {  	[sflag:s22] =	ssyncadd.s32 $0xFFFFD800  }
0x61: {  	[spmem:s1] =	stream.indirect.scatter.add.f32 [tilespmem:s17], [sflag:$0x2], $0x80, s20, s21, $0xb8;
	[tilespmem:$0x16900] =	vst v63  }
0x62: {  	_ =	swait.ge [sflag:s18], $0x2800  }
0x63: {  	s25 =	smov.u32 s29;
	[sflag:s18] =	ssyncset.done $0x0  }
0x64: {  	s25 =	sadd.s32 s24, s15;
	[sflag:s18] =	ssyncadd.s32 $0xFFFFD800  }
0x65: {  	[tilespmem:s19], [sflag:$0x2] =	stream.linear.gather [hbm4b:s25+s3], $0x80, $0x38;
	[tilespmem:$0x16900] =	vst v63  }
0x66: {  	_ =	swait.ge [sflag:s18], $0x80  }
0x67: {  	[sflag:s18] =	ssyncset.done $0x0  }
0x68: {  	s29 =	sadd.s32 s24, s16;
	[sflag:s18] =	ssyncadd.s32 $0xFFFFFF80  }
0x69: {  	[tilespmem:s20], [sflag:$0x2] =	stream.linear.gather [hbm4b:s29+s3], $0x80, $0x38;
	[tilespmem:$0x16900] =	vst v63  }
0x6a: {  	_ =	swait.ge [sflag:s18], $0x80  }
0x6b: {  	[sflag:s18] =	ssyncset.done $0x0  }
0x6c: {  	[sflag:s18] =	ssyncadd.s32 $0xFFFFFF80  }
0x6d: {  	[tilespmem:s17], [sflag:$0x1] =	stream.indirect.gather [hbm4b:s4+s21], $0x80, s19, s21, $0xb8;
	[tilespmem:$0x16900] =	vst v63  }
0x6e: {  	_ =	swait.ge [sflag:s22], $0x2800  }
0x6f: {  	[sflag:s22] =	ssyncset.done $0x0  }
0x70: {  	[sflag:s22] =	ssyncadd.s32 $0xFFFFD800  }
0x71: {  	[spmem:s1] =	stream.indirect.scatter.add.f32 [tilespmem:s17], [sflag:$0x2], $0x80, s20, s21, $0xb8;
	[tilespmem:$0x16900] =	vst v63  }
0x72: {  	_ =	swait.ge [sflag:s18], $0x2800  }
0x73: {  	s30 =	sshll.u32 s2, $0x6;
	s23 =	sadd.s32 $0x1, s23;
	[sflag:s18] =	ssyncset.done $0x0  }
0x74: {  	s31 =	sshrl.u32 s5, $0x3;
	p0 =	sne.s32 s23, s14;
	[sflag:s18] =	ssyncadd.s32 $0xFFFFD800  }
.Ltmp2:
0x75: {  	s24 =	sor.u32 $0x1C02, s30;
	[bflag:$0x0] =	sbarrier.arrive $0xFFFF;
	(pc) =	sbr.rel @p0 .LBB2_1-.Ltmp2, $4  }
0x76: {  	[hbm:s13], [sflag:s24] =	dma.local [spmem:s31], $0x2800  }
0x77: {  	_ =	swait.ge [sflag:s18], $0x2800  }
0x78: {  	[sflag:s18] =	ssyncset.done $0x0  }
0x79: {  	[sflag:s18] =	ssyncadd.s32 $0xFFFFD800  }
0x7a: {  	_ =	sfence.sel $0x180000  }
0x7b: {  	[bflag:$0x0] =	sbarrier.arrive $0xFFFF  }
0x7c: {  	p0 =	sne.s32 s2, $0x0;
	_ =	strace $0x9000004A  }
0x7d: {  	s0 =	sadd.s32 @!p0 $0x100000, s0;
	[bflag:$0x2] =	sbarrier.arrive $0xFFFF  }
0x7e: {  	[sflag:s0] =	ssyncadd.tile.s32 @!p0 $0x1;
	_ =	shalt  }
.Lfunc_end2:
_tile_overlayer_lowered:
.L_overlay_start_2:
0x7f: {  	(tag) =	ssettag $0x2  }
0x80: {  	s0 =	rddreg [dreg:$0x0];
	s2 =	stileid.u32  }
0x81: {  	s1 =	rddreg [dreg:$0x1];
	p0 =	sne.s32 s2, $0x0  }
0x82: {  	s3 =	rddreg [dreg:$0x2];
	[bflag:$0x3] =	sbarrier.arrive $0xFFFF;
	s2 =	simm.s32 @!p0 $0x1C02  }
0x83: {  	[timem:s3], [sflag:s2] =	dma.local @!p0 [hbm:s0], s1  }
0x84: {  	s0 =	simm.s32 @!p0 $0x2  }
0x85: {  	_ =	swait.ge @!p0 [sflag:s0], s1  }
0x86: {  	s1 =	ssub.s32 @!p0 $0x0, s1;
	[sflag:s0] =	ssyncset.done @!p0 $0x0  }
0x87: {  	[sflag:s0] =	ssyncadd.s32 @!p0 s1  }
0x88: {  	[bflag:$0x3] =	sbarrier.arrive $0xFFFF  }
0x89: {  	_ =	shalt  }

</sc_bundles>
